<compile_context>
chip_gen: v7x
topology: tpu7x:2x2x1
jax: 0.10.2.dev20260603
libtpu: 0.0.44.dev20260713+nightly
codegen_flags: <defaults>
</compile_context>

<pallas_src>
import functools

import jax
import jax.numpy as jnp
from jax import lax
from jax.experimental import pallas as pl
from jax.experimental.pallas import tpu as pltpu
from jax.experimental.pallas import tpu_sc as plsc

B = 4096
R = 200
J = 100
D = 64
NC = 2
NS = 16
NW = NC * NS
CH = 4
NCH = J * D // CH // NW
NBUF = 7


def _gather_body(x_hbm, ind_hbm, out_hbm, ind_v, idx_v, rows_v, gsems, osems):
    wid = lax.axis_index("c") * NS + lax.axis_index("s")
    base_m = wid * NCH
    pltpu.sync_copy(ind_hbm, ind_v.at[pl.ds(0, J)])

    def compute_idx(c, carry):
        m = base_m + c
        j = lax.shift_right_logical(m, 4)
        idx_v[pl.ds(c * 16, 16)] = ind_v[pl.ds(j, 16)] * (D // CH) + (m & (D // CH - 1))
        return carry

    lax.fori_loop(0, NCH, compute_idx, 0)

    def fire_gather(c, buf):
        pltpu.async_copy(
            x_hbm.at[idx_v.at[pl.ds(c * 16, 1)]], rows_v.at[buf], gsems[buf])

    def drain_gather(buf):
        pltpu.make_async_copy(
            out_hbm.at[pl.ds(0, 1)], rows_v.at[buf], gsems[buf]).wait()

    def fire_out(c, buf):
        pltpu.async_copy(
            rows_v.at[buf], out_hbm.at[pl.ds(base_m + c, 1)], osems[buf])

    def drain_out(buf):
        pltpu.make_async_copy(
            out_hbm.at[pl.ds(0, 1)], rows_v.at[buf], osems[buf]).wait()

    def step(c, buf):
        @pl.when(c >= NBUF)
        def _():
            drain_out(buf)
        fire_gather(c, buf)
        @pl.when(c >= 1)
        def _():
            drain_gather((buf - 1) % NBUF)
            fire_out(c - 1, (buf - 1) % NBUF)

    def loop(h, carry):
        for buf in range(NBUF):
            step(h * NBUF + buf, buf)
        return carry

    lax.fori_loop(0, (NCH - 1) // NBUF, loop, 0)
    for c in range((NCH - 1) // NBUF * NBUF, NCH):
        step(c, c % NBUF)
    last = (NCH - 1) % NBUF
    drain_gather(last)
    fire_out(NCH - 1, last)
    for buf in range(NBUF):
        drain_out(buf)


@jax.jit
def kernel(x, indices):
    x_t = x.transpose(1, 2, 0).reshape(R * D // CH, CH, B)
    mesh = plsc.VectorSubcoreMesh(core_axis_name="c", subcore_axis_name="s")
    run = functools.partial(
        pl.kernel,
        mesh=mesh,
        out_type=jax.ShapeDtypeStruct((J * D // CH, CH, B), jnp.float32),
        scratch_types=[
            pltpu.VMEM((J + 28,), jnp.int32),
            pltpu.VMEM((NCH * 16,), jnp.int32),
            pltpu.VMEM((NBUF, 1, CH, B), jnp.float32),
            [pltpu.SemaphoreType.DMA] * NBUF,
            [pltpu.SemaphoreType.DMA] * NBUF,
        ],
        compiler_params=pltpu.CompilerParams(use_tc_tiling_on_sc=True),
    )(_gather_body)
    out_t = run(x_t, indices)
    return out_t.reshape(J, D, B).transpose(2, 0, 1)

# --- scband reference (transcript-rebuilt; emitter-appended) ---
"""Pipeline reference for scband-gather-mask-rows-56942676411095 (READ-ONLY COPY).

The authoritative reference and input builder live on the scoring server;
editing this copy changes nothing except your own understanding.
"""

import jax, jax.numpy as jnp
import numpy as np

INDICES = np.arange(0, 200, 2, dtype=np.int32)

def setup_inputs(seed: int = 0) -> dict:
    key = jax.random.key(seed)
    x = jax.random.normal(key, (4096, 200, 64), dtype=jnp.float32)
    indices = jnp.asarray(INDICES, dtype=jnp.int32)
    return {"x": x, "indices": indices}

def reference(x, indices):
    # Faithful translation of tf.gather(x, indices, axis=1)
    return jnp.take(x, indices, axis=1)

if __name__ == "__main__":
    import jax
    _d = setup_inputs()
    print(jax.jit(kernel)(*tuple(_d.values())))

</pallas_src>

<mosaic_0001>
#map = affine_map<(d0, d1) -> (0, 0, 0)>
#map1 = affine_map<(d0, d1) -> (0)>
module attributes {stable_mosaic.version = 14 : i64} {
  func.func @_gather_body(%arg0: i32, %arg1: i32, %arg2: memref<3200x4x4096xf32, #tpu.memory_space<hbm>>, %arg3: memref<100xi32, #tpu.memory_space<hbm>>, %arg4: memref<1600x4x4096xf32, #tpu.memory_space<hbm>>, %arg5: memref<128xi32, #tpu.memory_space<vmem>>, %arg6: memref<800xi32, #tpu.memory_space<vmem>>, %arg7: memref<7x1x4x4096xf32, #tpu.memory_space<vmem>>, %arg8: memref<!tpu.dma_semaphore, #tpu.memory_space<semaphore_mem>>, %arg9: memref<!tpu.dma_semaphore, #tpu.memory_space<semaphore_mem>>, %arg10: memref<!tpu.dma_semaphore, #tpu.memory_space<semaphore_mem>>, %arg11: memref<!tpu.dma_semaphore, #tpu.memory_space<semaphore_mem>>, %arg12: memref<!tpu.dma_semaphore, #tpu.memory_space<semaphore_mem>>, %arg13: memref<!tpu.dma_semaphore, #tpu.memory_space<semaphore_mem>>, %arg14: memref<!tpu.dma_semaphore, #tpu.memory_space<semaphore_mem>>, %arg15: memref<!tpu.dma_semaphore, #tpu.memory_space<semaphore_mem>>, %arg16: memref<!tpu.dma_semaphore, #tpu.memory_space<semaphore_mem>>, %arg17: memref<!tpu.dma_semaphore, #tpu.memory_space<semaphore_mem>>, %arg18: memref<!tpu.dma_semaphore, #tpu.memory_space<semaphore_mem>>, %arg19: memref<!tpu.dma_semaphore, #tpu.memory_space<semaphore_mem>>, %arg20: memref<!tpu.dma_semaphore, #tpu.memory_space<semaphore_mem>>, %arg21: memref<!tpu.dma_semaphore, #tpu.memory_space<semaphore_mem>>) attributes {dimension_semantics = [#tpu.dimension_semantics<core_parallel>, #tpu.dimension_semantics<subcore_parallel>], iteration_bounds = array<i64: 2, 16>, scalar_prefetch = 0 : i64, scratch_operands = 17 : i64, tpu.core_type = #tpu.core_type<sc_vector_subcore>, window_params = [{transform_indices = #map}, {transform_indices = #map1}, {transform_indices = #map}]} {
    %mul3A = arith.constant 16 : i32
    %mul3A_0 = arith.muli %arg0, %mul3A : i32
    %add3A = arith.addi %mul3A_0, %arg1 : i32
    %mul3A_1 = arith.constant 50 : i32
    %mul3A_2 = arith.muli %add3A, %mul3A_1 : i32
    "tpu.region"() ({
      %run_scoped3A = tpu.sem_alloc : memref<!tpu.dma_semaphore, #tpu.memory_space<semaphore_mem>>
      %dma_start3A_252 = arith.constant 0 : i32
      %dma_start3A_253 = tpu.memref_slice %arg5[%dma_start3A_252] : memref<128xi32, #tpu.memory_space<vmem>> -> memref<100xi32, #tpu.memory_space<vmem>>
      %dma_start3A_254 = arith.constant 0 : i32
      %dma_start3A_255 = tpu.memref_slice %arg5[%dma_start3A_254] : memref<128xi32, #tpu.memory_space<vmem>> -> memref<100xi32, #tpu.memory_space<vmem>>
      tpu.enqueue_dma source(%arg3 : memref<100xi32, #tpu.memory_space<hbm>>) target(%dma_start3A_255 : memref<100xi32, #tpu.memory_space<vmem>>) target_semaphore(%run_scoped3A : memref<!tpu.dma_semaphore, #tpu.memory_space<semaphore_mem>>)
      %dma_wait3A_256 = arith.constant 0 : i32
      %dma_wait3A_257 = tpu.memref_slice %arg5[%dma_wait3A_256] : memref<128xi32, #tpu.memory_space<vmem>> -> memref<100xi32, #tpu.memory_space<vmem>>
      %dma_wait3A_258 = arith.constant 0 : i32
      %dma_wait3A_259 = tpu.memref_slice %arg5[%dma_wait3A_258] : memref<128xi32, #tpu.memory_space<vmem>> -> memref<100xi32, #tpu.memory_space<vmem>>
      tpu.wait_dma2 semaphore(%run_scoped3A : memref<!tpu.dma_semaphore, #tpu.memory_space<semaphore_mem>>) src(%arg3 : memref<100xi32, #tpu.memory_space<hbm>>) dst(%dma_wait3A_259 : memref<100xi32, #tpu.memory_space<vmem>>)
      tpu.yield
    }) : () -> ()
    %scan3A = arith.constant 0 : i32
    %scan3A_3 = arith.constant 0 : i32
    %scan3A_4 = arith.constant 50 : i32
    %scan3A_5 = arith.addi %scan3A_3, %scan3A_4 : i32
    %scan3A_6 = arith.constant 1 : i32
    scf.for %scan3A_252 = %scan3A_3 to %scan3A_5 step %scan3A_6  : i32 {
      %add3A_253 = arith.addi %mul3A_2, %scan3A_252 : i32
      %shift_right_logical3A = arith.constant 4 : i32
      %shift_right_logical3A_254 = arith.shrui %add3A_253, %shift_right_logical3A : i32
      %get3A = arith.index_cast %shift_right_logical3A_254 : i32 to index
      %get3A_255 = tpu.vector_load %arg5[%get3A] {strides = array<i32>} : memref<128xi32, #tpu.memory_space<vmem>>, vector<16xi32>,
      %get3A_256 = vector.shape_cast %get3A_255 : vector<16xi32> to vector<16xi32>
      %mul3A_257 = arith.constant 16 : i32
      %mul3A_258 = vector.broadcast %mul3A_257 : i32 to vector<16xi32>
      %mul3A_259 = arith.muli %get3A_256, %mul3A_258 : vector<16xi32>
      %and3A = arith.constant 15 : i32
      %and3A_260 = arith.andi %add3A_253, %and3A : i32
      %add3A_261 = vector.broadcast %and3A_260 : i32 to vector<16xi32>
      %add3A_262 = arith.addi %mul3A_259, %add3A_261 : vector<16xi32>
      %mul3A_263 = arith.constant 16 : i32
      %mul3A_264 = arith.muli %scan3A_252, %mul3A_263 : i32
      %swap3A = arith.index_cast %mul3A_264 : i32 to index
      %swap3A_265 = tpu.vector_load %arg6[%swap3A] {strides = array<i32>} : memref<800xi32, #tpu.memory_space<vmem>>, vector<16xi32>,
      %swap3A_266 = vector.shape_cast %swap3A_265 : vector<16xi32> to vector<16xi32>
      %swap3A_267 = vector.shape_cast %add3A_262 : vector<16xi32> to vector<16xi32>
      tpu.vector_store %arg6[%swap3A], %swap3A_267 {strides = array<i32>} : memref<800xi32, #tpu.memory_space<vmem>>, vector<16xi32>,
    }
    %scan3A_7 = arith.constant 50 : i32
    %scan3A_8 = arith.constant 0 : i32
    %scan3A_9 = arith.constant 0 : i32
    %scan3A_10 = arith.constant 7 : i32
    %scan3A_11 = arith.addi %scan3A_9, %scan3A_10 : i32
    %scan3A_12 = arith.constant 1 : i32
    scf.for %scan3A_252 = %scan3A_9 to %scan3A_11 step %scan3A_12  : i32 {
      %mul3A_253 = arith.constant 7 : i32
      %mul3A_254 = arith.muli %scan3A_252, %mul3A_253 : i32
      %add3A_255 = arith.constant 0 : i32
      %add3A_256 = arith.addi %mul3A_254, %add3A_255 : i32
      %ge3A = arith.constant 7 : i32
      %ge3A_257 = arith.cmpi sge, %add3A_256, %ge3A : i32
      %convert_element_type3A = arith.extui %ge3A_257 : i1 to i32
      %cond3A = arith.constant 0 : i32
      %cond3A_258 = arith.cmpi ne, %convert_element_type3A, %cond3A : i32
      scf.if %cond3A_258 {
        %dma_wait3A_439 = arith.constant 0 : i32
        %dma_wait3A_440 = arith.constant 0 : i32
        %dma_wait3A_441 = arith.constant 0 : i32
        %dma_wait3A_442 = arith.constant 0 : i32
        %dma_wait3A_443 = tpu.memref_slice %arg7[%dma_wait3A_439, %dma_wait3A_440, %dma_wait3A_441, %dma_wait3A_442] : memref<7x1x4x4096xf32, #tpu.memory_space<vmem>> -> memref<1x1x4x4096xf32, #tpu.memory_space<vmem>>
        %dma_wait3A_444 = tpu.memref_squeeze %dma_wait3A_443 : memref<1x1x4x4096xf32, #tpu.memory_space<vmem>> -> memref<1x4x4096xf32, #tpu.memory_space<vmem>>
        %dma_wait3A_445 = arith.constant 0 : i32
        %dma_wait3A_446 = arith.constant 0 : i32
        %dma_wait3A_447 = arith.constant 0 : i32
        %dma_wait3A_448 = tpu.memref_slice %arg4[%dma_wait3A_445, %dma_wait3A_446, %dma_wait3A_447] : memref<1600x4x4096xf32, #tpu.memory_space<hbm>> -> memref<1x4x4096xf32, #tpu.memory_space<hbm>>
        %dma_wait3A_449 = arith.constant 0 : i32
        %dma_wait3A_450 = arith.constant 0 : i32
        %dma_wait3A_451 = arith.constant 0 : i32
        %dma_wait3A_452 = tpu.memref_slice %arg7[%dma_wait3A_439, %dma_wait3A_449, %dma_wait3A_450, %dma_wait3A_451] : memref<7x1x4x4096xf32, #tpu.memory_space<vmem>> -> memref<1x1x4x4096xf32, #tpu.memory_space<vmem>>
        %dma_wait3A_453 = tpu.memref_squeeze %dma_wait3A_452 : memref<1x1x4x4096xf32, #tpu.memory_space<vmem>> -> memref<1x4x4096xf32, #tpu.memory_space<vmem>>
        %dma_wait3A_454 = arith.constant 0 : i32
        %dma_wait3A_455 = arith.constant 0 : i32
        %dma_wait3A_456 = arith.constant 0 : i32
        %dma_wait3A_457 = tpu.memref_slice %arg4[%dma_wait3A_454, %dma_wait3A_455, %dma_wait3A_456] : memref<1600x4x4096xf32, #tpu.memory_space<hbm>> -> memref<1x4x4096xf32, #tpu.memory_space<hbm>>
        tpu.wait_dma2 semaphore(%arg15 : memref<!tpu.dma_semaphore, #tpu.memory_space<semaphore_mem>>) src(%dma_wait3A_457 : memref<1x4x4096xf32, #tpu.memory_space<hbm>>) dst(%dma_wait3A_453 : memref<1x4x4096xf32, #tpu.memory_space<vmem>>)
      } else {
      }
      %mul3A_259 = arith.constant 16 : i32
      %mul3A_260 = arith.muli %add3A_256, %mul3A_259 : i32
      %dma_start3A_261 = arith.constant 0 : i32
      %dma_start3A_262 = arith.constant 0 : i32
      %dma_start3A_263 = arith.constant 0 : i32
      %dma_start3A_264 = arith.constant 0 : i32
      %dma_start3A_265 = tpu.memref_slice %arg7[%dma_start3A_261, %dma_start3A_262, %dma_start3A_263, %dma_start3A_264] : memref<7x1x4x4096xf32, #tpu.memory_space<vmem>> -> memref<1x1x4x4096xf32, #tpu.memory_space<vmem>>
      %dma_start3A_266 = tpu.memref_squeeze %dma_start3A_265 : memref<1x1x4x4096xf32, #tpu.memory_space<vmem>> -> memref<1x4x4096xf32, #tpu.memory_space<vmem>>
      %dma_start3A_267 = tpu.memref_slice %arg6[%mul3A_260] : memref<800xi32, #tpu.memory_space<vmem>> -> memref<1xi32, #tpu.memory_space<vmem>>
      %dma_start3A_268 = arith.constant 0 : i32
      %dma_start3A_269 = arith.constant 0 : i32
      %dma_start3A_270 = arith.constant 0 : i32
      %dma_start3A_271 = tpu.memref_slice %arg2[%dma_start3A_268, %dma_start3A_269, %dma_start3A_270] : memref<3200x4x4096xf32, #tpu.memory_space<hbm>> -> memref<3200x4x4096xf32, #tpu.memory_space<hbm>>
      tpu.enqueue_indirect_dma source(%dma_start3A_271 : memref<3200x4x4096xf32, #tpu.memory_space<hbm>>) target(%dma_start3A_266 : memref<1x4x4096xf32, #tpu.memory_space<vmem>>) offsets(%dma_start3A_267 : memref<1xi32, #tpu.memory_space<vmem>>) semaphore(%arg8 : memref<!tpu.dma_semaphore, #tpu.memory_space<semaphore_mem>>)
      %ge3A_272 = arith.constant 1 : i32
      %ge3A_273 = arith.cmpi sge, %add3A_256, %ge3A_272 : i32
      %convert_element_type3A_274 = arith.extui %ge3A_273 : i1 to i32
      %cond3A_275 = arith.constant 0 : i32
      %cond3A_276 = arith.cmpi ne, %convert_element_type3A_274, %cond3A_275 : i32
      scf.if %cond3A_276 {
        %dma_wait3A_439 = arith.constant 6 : i32
        %dma_wait3A_440 = arith.constant 0 : i32
        %dma_wait3A_441 = arith.constant 0 : i32
        %dma_wait3A_442 = arith.constant 0 : i32
        %dma_wait3A_443 = tpu.memref_slice %arg7[%dma_wait3A_439, %dma_wait3A_440, %dma_wait3A_441, %dma_wait3A_442] : memref<7x1x4x4096xf32, #tpu.memory_space<vmem>> -> memref<1x1x4x4096xf32, #tpu.memory_space<vmem>>
        %dma_wait3A_444 = tpu.memref_squeeze %dma_wait3A_443 : memref<1x1x4x4096xf32, #tpu.memory_space<vmem>> -> memref<1x4x4096xf32, #tpu.memory_space<vmem>>
        %dma_wait3A_445 = arith.constant 0 : i32
        %dma_wait3A_446 = arith.constant 0 : i32
        %dma_wait3A_447 = arith.constant 0 : i32
        %dma_wait3A_448 = tpu.memref_slice %arg4[%dma_wait3A_445, %dma_wait3A_446, %dma_wait3A_447] : memref<1600x4x4096xf32, #tpu.memory_space<hbm>> -> memref<1x4x4096xf32, #tpu.memory_space<hbm>>
        %dma_wait3A_449 = arith.constant 0 : i32
        %dma_wait3A_450 = arith.constant 0 : i32
        %dma_wait3A_451 = arith.constant 0 : i32
        %dma_wait3A_452 = tpu.memref_slice %arg7[%dma_wait3A_439, %dma_wait3A_449, %dma_wait3A_450, %dma_wait3A_451] : memref<7x1x4x4096xf32, #tpu.memory_space<vmem>> -> memref<1x1x4x4096xf32, #tpu.memory_space<vmem>>
        %dma_wait3A_453 = tpu.memref_squeeze %dma_wait3A_452 : memref<1x1x4x4096xf32, #tpu.memory_space<vmem>> -> memref<1x4x4096xf32, #tpu.memory_space<vmem>>
        %dma_wait3A_454 = arith.constant 0 : i32
        %dma_wait3A_455 = arith.constant 0 : i32
        %dma_wait3A_456 = arith.constant 0 : i32
        %dma_wait3A_457 = tpu.memref_slice %arg4[%dma_wait3A_454, %dma_wait3A_455, %dma_wait3A_456] : memref<1600x4x4096xf32, #tpu.memory_space<hbm>> -> memref<1x4x4096xf32, #tpu.memory_space<hbm>>
        tpu.wait_dma2 semaphore(%arg14 : memref<!tpu.dma_semaphore, #tpu.memory_space<semaphore_mem>>) src(%dma_wait3A_457 : memref<1x4x4096xf32, #tpu.memory_space<hbm>>) dst(%dma_wait3A_453 : memref<1x4x4096xf32, #tpu.memory_space<vmem>>)
        %sub3A = arith.constant 1 : i32
        %sub3A_458 = arith.subi %add3A_256, %sub3A : i32
        %add3A_459 = arith.addi %mul3A_2, %sub3A_458 : i32
        %dma_start3A_460 = arith.constant 6 : i32
        %dma_start3A_461 = arith.constant 0 : i32
        %dma_start3A_462 = arith.constant 0 : i32
        %dma_start3A_463 = arith.constant 0 : i32
        %dma_start3A_464 = tpu.memref_slice %arg7[%dma_start3A_460, %dma_start3A_461, %dma_start3A_462, %dma_start3A_463] : memref<7x1x4x4096xf32, #tpu.memory_space<vmem>> -> memref<1x1x4x4096xf32, #tpu.memory_space<vmem>>
        %dma_start3A_465 = tpu.memref_squeeze %dma_start3A_464 : memref<1x1x4x4096xf32, #tpu.memory_space<vmem>> -> memref<1x4x4096xf32, #tpu.memory_space<vmem>>
        %dma_start3A_466 = arith.constant 0 : i32
        %dma_start3A_467 = arith.constant 0 : i32
        %dma_start3A_468 = tpu.memref_slice %arg4[%add3A_459, %dma_start3A_466, %dma_start3A_467] : memref<1600x4x4096xf32, #tpu.memory_space<hbm>> -> memref<1x4x4096xf32, #tpu.memory_space<hbm>>
        %dma_start3A_469 = arith.constant 0 : i32
        %dma_start3A_470 = arith.constant 0 : i32
        %dma_start3A_471 = tpu.memref_slice %arg4[%add3A_459, %dma_start3A_469, %dma_start3A_470] : memref<1600x4x4096xf32, #tpu.memory_space<hbm>> -> memref<1x4x4096xf32, #tpu.memory_space<hbm>>
        %dma_start3A_472 = arith.constant 0 : i32
        %dma_start3A_473 = arith.constant 0 : i32
        %dma_start3A_474 = arith.constant 0 : i32
        %dma_start3A_475 = tpu.memref_slice %arg7[%dma_start3A_460, %dma_start3A_472, %dma_start3A_473, %dma_start3A_474] : memref<7x1x4x4096xf32, #tpu.memory_space<vmem>> -> memref<1x1x4x4096xf32, #tpu.memory_space<vmem>>
        %dma_start3A_476 = tpu.memref_squeeze %dma_start3A_475 : memref<1x1x4x4096xf32, #tpu.memory_space<vmem>> -> memref<1x4x4096xf32, #tpu.memory_space<vmem>>
        tpu.enqueue_dma source(%dma_start3A_476 : memref<1x4x4096xf32, #tpu.memory_space<vmem>>) target(%dma_start3A_471 : memref<1x4x4096xf32, #tpu.memory_space<hbm>>) target_semaphore(%arg21 : memref<!tpu.dma_semaphore, #tpu.memory_space<semaphore_mem>>)
      } else {
      }
      %mul3A_277 = arith.constant 7 : i32
      %mul3A_278 = arith.muli %scan3A_252, %mul3A_277 : i32
      %add3A_279 = arith.constant 1 : i32
      %add3A_280 = arith.addi %mul3A_278, %add3A_279 : i32
      %ge3A_281 = arith.constant 7 : i32
      %ge3A_282 = arith.cmpi sge, %add3A_280, %ge3A_281 : i32
      %convert_element_type3A_283 = arith.extui %ge3A_282 : i1 to i32
      %cond3A_284 = arith.constant 0 : i32
      %cond3A_285 = arith.cmpi ne, %convert_element_type3A_283, %cond3A_284 : i32
      scf.if %cond3A_285 {
        %dma_wait3A_439 = arith.constant 1 : i32
        %dma_wait3A_440 = arith.constant 0 : i32
        %dma_wait3A_441 = arith.constant 0 : i32
        %dma_wait3A_442 = arith.constant 0 : i32
        %dma_wait3A_443 = tpu.memref_slice %arg7[%dma_wait3A_439, %dma_wait3A_440, %dma_wait3A_441, %dma_wait3A_442] : memref<7x1x4x4096xf32, #tpu.memory_space<vmem>> -> memref<1x1x4x4096xf32, #tpu.memory_space<vmem>>
        %dma_wait3A_444 = tpu.memref_squeeze %dma_wait3A_443 : memref<1x1x4x4096xf32, #tpu.memory_space<vmem>> -> memref<1x4x4096xf32, #tpu.memory_space<vmem>>
        %dma_wait3A_445 = arith.constant 0 : i32
        %dma_wait3A_446 = arith.constant 0 : i32
        %dma_wait3A_447 = arith.constant 0 : i32
        %dma_wait3A_448 = tpu.memref_slice %arg4[%dma_wait3A_445, %dma_wait3A_446, %dma_wait3A_447] : memref<1600x4x4096xf32, #tpu.memory_space<hbm>> -> memref<1x4x4096xf32, #tpu.memory_space<hbm>>
        %dma_wait3A_449 = arith.constant 0 : i32
        %dma_wait3A_450 = arith.constant 0 : i32
        %dma_wait3A_451 = arith.constant 0 : i32
        %dma_wait3A_452 = tpu.memref_slice %arg7[%dma_wait3A_439, %dma_wait3A_449, %dma_wait3A_450, %dma_wait3A_451] : memref<7x1x4x4096xf32, #tpu.memory_space<vmem>> -> memref<1x1x4x4096xf32, #tpu.memory_space<vmem>>
        %dma_wait3A_453 = tpu.memref_squeeze %dma_wait3A_452 : memref<1x1x4x4096xf32, #tpu.memory_space<vmem>> -> memref<1x4x4096xf32, #tpu.memory_space<vmem>>
        %dma_wait3A_454 = arith.constant 0 : i32
        %dma_wait3A_455 = arith.constant 0 : i32
        %dma_wait3A_456 = arith.constant 0 : i32
        %dma_wait3A_457 = tpu.memref_slice %arg4[%dma_wait3A_454, %dma_wait3A_455, %dma_wait3A_456] : memref<1600x4x4096xf32, #tpu.memory_space<hbm>> -> memref<1x4x4096xf32, #tpu.memory_space<hbm>>
        tpu.wait_dma2 semaphore(%arg16 : memref<!tpu.dma_semaphore, #tpu.memory_space<semaphore_mem>>) src(%dma_wait3A_457 : memref<1x4x4096xf32, #tpu.memory_space<hbm>>) dst(%dma_wait3A_453 : memref<1x4x4096xf32, #tpu.memory_space<vmem>>)
      } else {
      }
      %mul3A_286 = arith.constant 16 : i32
      %mul3A_287 = arith.muli %add3A_280, %mul3A_286 : i32
      %dma_start3A_288 = arith.constant 1 : i32
      %dma_start3A_289 = arith.constant 0 : i32
      %dma_start3A_290 = arith.constant 0 : i32
      %dma_start3A_291 = arith.constant 0 : i32
      %dma_start3A_292 = tpu.memref_slice %arg7[%dma_start3A_288, %dma_start3A_289, %dma_start3A_290, %dma_start3A_291] : memref<7x1x4x4096xf32, #tpu.memory_space<vmem>> -> memref<1x1x4x4096xf32, #tpu.memory_space<vmem>>
      %dma_start3A_293 = tpu.memref_squeeze %dma_start3A_292 : memref<1x1x4x4096xf32, #tpu.memory_space<vmem>> -> memref<1x4x4096xf32, #tpu.memory_space<vmem>>
      %dma_start3A_294 = tpu.memref_slice %arg6[%mul3A_287] : memref<800xi32, #tpu.memory_space<vmem>> -> memref<1xi32, #tpu.memory_space<vmem>>
      %dma_start3A_295 = arith.constant 0 : i32
      %dma_start3A_296 = arith.constant 0 : i32
      %dma_start3A_297 = arith.constant 0 : i32
      %dma_start3A_298 = tpu.memref_slice %arg2[%dma_start3A_295, %dma_start3A_296, %dma_start3A_297] : memref<3200x4x4096xf32, #tpu.memory_space<hbm>> -> memref<3200x4x4096xf32, #tpu.memory_space<hbm>>
      tpu.enqueue_indirect_dma source(%dma_start3A_298 : memref<3200x4x4096xf32, #tpu.memory_space<hbm>>) target(%dma_start3A_293 : memref<1x4x4096xf32, #tpu.memory_space<vmem>>) offsets(%dma_start3A_294 : memref<1xi32, #tpu.memory_space<vmem>>) semaphore(%arg9 : memref<!tpu.dma_semaphore, #tpu.memory_space<semaphore_mem>>)
      %ge3A_299 = arith.constant 1 : i32
      %ge3A_300 = arith.cmpi sge, %add3A_280, %ge3A_299 : i32
      %convert_element_type3A_301 = arith.extui %ge3A_300 : i1 to i32
      %cond3A_302 = arith.constant 0 : i32
      %cond3A_303 = arith.cmpi ne, %convert_element_type3A_301, %cond3A_302 : i32
      scf.if %cond3A_303 {
        %dma_wait3A_439 = arith.constant 0 : i32
        %dma_wait3A_440 = arith.constant 0 : i32
        %dma_wait3A_441 = arith.constant 0 : i32
        %dma_wait3A_442 = arith.constant 0 : i32
        %dma_wait3A_443 = tpu.memref_slice %arg7[%dma_wait3A_439, %dma_wait3A_440, %dma_wait3A_441, %dma_wait3A_442] : memref<7x1x4x4096xf32, #tpu.memory_space<vmem>> -> memref<1x1x4x4096xf32, #tpu.memory_space<vmem>>
        %dma_wait3A_444 = tpu.memref_squeeze %dma_wait3A_443 : memref<1x1x4x4096xf32, #tpu.memory_space<vmem>> -> memref<1x4x4096xf32, #tpu.memory_space<vmem>>
        %dma_wait3A_445 = arith.constant 0 : i32
        %dma_wait3A_446 = arith.constant 0 : i32
        %dma_wait3A_447 = arith.constant 0 : i32
        %dma_wait3A_448 = tpu.memref_slice %arg4[%dma_wait3A_445, %dma_wait3A_446, %dma_wait3A_447] : memref<1600x4x4096xf32, #tpu.memory_space<hbm>> -> memref<1x4x4096xf32, #tpu.memory_space<hbm>>
        %dma_wait3A_449 = arith.constant 0 : i32
        %dma_wait3A_450 = arith.constant 0 : i32
        %dma_wait3A_451 = arith.constant 0 : i32
        %dma_wait3A_452 = tpu.memref_slice %arg7[%dma_wait3A_439, %dma_wait3A_449, %dma_wait3A_450, %dma_wait3A_451] : memref<7x1x4x4096xf32, #tpu.memory_space<vmem>> -> memref<1x1x4x4096xf32, #tpu.memory_space<vmem>>
        %dma_wait3A_453 = tpu.memref_squeeze %dma_wait3A_452 : memref<1x1x4x4096xf32, #tpu.memory_space<vmem>> -> memref<1x4x4096xf32, #tpu.memory_space<vmem>>
        %dma_wait3A_454 = arith.constant 0 : i32
        %dma_wait3A_455 = arith.constant 0 : i32
        %dma_wait3A_456 = arith.constant 0 : i32
        %dma_wait3A_457 = tpu.memref_slice %arg4[%dma_wait3A_454, %dma_wait3A_455, %dma_wait3A_456] : memref<1600x4x4096xf32, #tpu.memory_space<hbm>> -> memref<1x4x4096xf32, #tpu.memory_space<hbm>>
        tpu.wait_dma2 semaphore(%arg8 : memref<!tpu.dma_semaphore, #tpu.memory_space<semaphore_mem>>) src(%dma_wait3A_457 : memref<1x4x4096xf32, #tpu.memory_space<hbm>>) dst(%dma_wait3A_453 : memref<1x4x4096xf32, #tpu.memory_space<vmem>>)
        %sub3A = arith.constant 1 : i32
        %sub3A_458 = arith.subi %add3A_280, %sub3A : i32
        %add3A_459 = arith.addi %mul3A_2, %sub3A_458 : i32
        %dma_start3A_460 = arith.constant 0 : i32
        %dma_start3A_461 = arith.constant 0 : i32
        %dma_start3A_462 = arith.constant 0 : i32
        %dma_start3A_463 = arith.constant 0 : i32
        %dma_start3A_464 = tpu.memref_slice %arg7[%dma_start3A_460, %dma_start3A_461, %dma_start3A_462, %dma_start3A_463] : memref<7x1x4x4096xf32, #tpu.memory_space<vmem>> -> memref<1x1x4x4096xf32, #tpu.memory_space<vmem>>
        %dma_start3A_465 = tpu.memref_squeeze %dma_start3A_464 : memref<1x1x4x4096xf32, #tpu.memory_space<vmem>> -> memref<1x4x4096xf32, #tpu.memory_space<vmem>>
        %dma_start3A_466 = arith.constant 0 : i32
        %dma_start3A_467 = arith.constant 0 : i32
        %dma_start3A_468 = tpu.memref_slice %arg4[%add3A_459, %dma_start3A_466, %dma_start3A_467] : memref<1600x4x4096xf32, #tpu.memory_space<hbm>> -> memref<1x4x4096xf32, #tpu.memory_space<hbm>>
        %dma_start3A_469 = arith.constant 0 : i32
        %dma_start3A_470 = arith.constant 0 : i32
        %dma_start3A_471 = tpu.memref_slice %arg4[%add3A_459, %dma_start3A_469, %dma_start3A_470] : memref<1600x4x4096xf32, #tpu.memory_space<hbm>> -> memref<1x4x4096xf32, #tpu.memory_space<hbm>>
        %dma_start3A_472 = arith.constant 0 : i32
        %dma_start3A_473 = arith.constant 0 : i32
        %dma_start3A_474 = arith.constant 0 : i32
        %dma_start3A_475 = tpu.memref_slice %arg7[%dma_start3A_460, %dma_start3A_472, %dma_start3A_473, %dma_start3A_474] : memref<7x1x4x4096xf32, #tpu.memory_space<vmem>> -> memref<1x1x4x4096xf32, #tpu.memory_space<vmem>>
        %dma_start3A_476 = tpu.memref_squeeze %dma_start3A_475 : memref<1x1x4x4096xf32, #tpu.memory_space<vmem>> -> memref<1x4x4096xf32, #tpu.memory_space<vmem>>
        tpu.enqueue_dma source(%dma_start3A_476 : memref<1x4x4096xf32, #tpu.memory_space<vmem>>) target(%dma_start3A_471 : memref<1x4x4096xf32, #tpu.memory_space<hbm>>) target_semaphore(%arg15 : memref<!tpu.dma_semaphore, #tpu.memory_space<semaphore_mem>>)
      } else {
      }
      %mul3A_304 = arith.constant 7 : i32
      %mul3A_305 = arith.muli %scan3A_252, %mul3A_304 : i32
      %add3A_306 = arith.constant 2 : i32
      %add3A_307 = arith.addi %mul3A_305, %add3A_306 : i32
      %ge3A_308 = arith.constant 7 : i32
      %ge3A_309 = arith.cmpi sge, %add3A_307, %ge3A_308 : i32
      %convert_element_type3A_310 = arith.extui %ge3A_309 : i1 to i32
      %cond3A_311 = arith.constant 0 : i32
      %cond3A_312 = arith.cmpi ne, %convert_element_type3A_310, %cond3A_311 : i32
      scf.if %cond3A_312 {
        %dma_wait3A_439 = arith.constant 2 : i32
        %dma_wait3A_440 = arith.constant 0 : i32
        %dma_wait3A_441 = arith.constant 0 : i32
        %dma_wait3A_442 = arith.constant 0 : i32
        %dma_wait3A_443 = tpu.memref_slice %arg7[%dma_wait3A_439, %dma_wait3A_440, %dma_wait3A_441, %dma_wait3A_442] : memref<7x1x4x4096xf32, #tpu.memory_space<vmem>> -> memref<1x1x4x4096xf32, #tpu.memory_space<vmem>>
        %dma_wait3A_444 = tpu.memref_squeeze %dma_wait3A_443 : memref<1x1x4x4096xf32, #tpu.memory_space<vmem>> -> memref<1x4x4096xf32, #tpu.memory_space<vmem>>
        %dma_wait3A_445 = arith.constant 0 : i32
        %dma_wait3A_446 = arith.constant 0 : i32
        %dma_wait3A_447 = arith.constant 0 : i32
        %dma_wait3A_448 = tpu.memref_slice %arg4[%dma_wait3A_445, %dma_wait3A_446, %dma_wait3A_447] : memref<1600x4x4096xf32, #tpu.memory_space<hbm>> -> memref<1x4x4096xf32, #tpu.memory_space<hbm>>
        %dma_wait3A_449 = arith.constant 0 : i32
        %dma_wait3A_450 = arith.constant 0 : i32
        %dma_wait3A_451 = arith.constant 0 : i32
        %dma_wait3A_452 = tpu.memref_slice %arg7[%dma_wait3A_439, %dma_wait3A_449, %dma_wait3A_450, %dma_wait3A_451] : memref<7x1x4x4096xf32, #tpu.memory_space<vmem>> -> memref<1x1x4x4096xf32, #tpu.memory_space<vmem>>
        %dma_wait3A_453 = tpu.memref_squeeze %dma_wait3A_452 : memref<1x1x4x4096xf32, #tpu.memory_space<vmem>> -> memref<1x4x4096xf32, #tpu.memory_space<vmem>>
        %dma_wait3A_454 = arith.constant 0 : i32
        %dma_wait3A_455 = arith.constant 0 : i32
        %dma_wait3A_456 = arith.constant 0 : i32
        %dma_wait3A_457 = tpu.memref_slice %arg4[%dma_wait3A_454, %dma_wait3A_455, %dma_wait3A_456] : memref<1600x4x4096xf32, #tpu.memory_space<hbm>> -> memref<1x4x4096xf32, #tpu.memory_space<hbm>>
        tpu.wait_dma2 semaphore(%arg17 : memref<!tpu.dma_semaphore, #tpu.memory_space<semaphore_mem>>) src(%dma_wait3A_457 : memref<1x4x4096xf32, #tpu.memory_space<hbm>>) dst(%dma_wait3A_453 : memref<1x4x4096xf32, #tpu.memory_space<vmem>>)
      } else {
      }
      %mul3A_313 = arith.constant 16 : i32
      %mul3A_314 = arith.muli %add3A_307, %mul3A_313 : i32
      %dma_start3A_315 = arith.constant 2 : i32
      %dma_start3A_316 = arith.constant 0 : i32
      %dma_start3A_317 = arith.constant 0 : i32
      %dma_start3A_318 = arith.constant 0 : i32
      %dma_start3A_319 = tpu.memref_slice %arg7[%dma_start3A_315, %dma_start3A_316, %dma_start3A_317, %dma_start3A_318] : memref<7x1x4x4096xf32, #tpu.memory_space<vmem>> -> memref<1x1x4x4096xf32, #tpu.memory_space<vmem>>
      %dma_start3A_320 = tpu.memref_squeeze %dma_start3A_319 : memref<1x1x4x4096xf32, #tpu.memory_space<vmem>> -> memref<1x4x4096xf32, #tpu.memory_space<vmem>>
      %dma_start3A_321 = tpu.memref_slice %arg6[%mul3A_314] : memref<800xi32, #tpu.memory_space<vmem>> -> memref<1xi32, #tpu.memory_space<vmem>>
      %dma_start3A_322 = arith.constant 0 : i32
      %dma_start3A_323 = arith.constant 0 : i32
      %dma_start3A_324 = arith.constant 0 : i32
      %dma_start3A_325 = tpu.memref_slice %arg2[%dma_start3A_322, %dma_start3A_323, %dma_start3A_324] : memref<3200x4x4096xf32, #tpu.memory_space<hbm>> -> memref<3200x4x4096xf32, #tpu.memory_space<hbm>>
      tpu.enqueue_indirect_dma source(%dma_start3A_325 : memref<3200x4x4096xf32, #tpu.memory_space<hbm>>) target(%dma_start3A_320 : memref<1x4x4096xf32, #tpu.memory_space<vmem>>) offsets(%dma_start3A_321 : memref<1xi32, #tpu.memory_space<vmem>>) semaphore(%arg10 : memref<!tpu.dma_semaphore, #tpu.memory_space<semaphore_mem>>)
      %ge3A_326 = arith.constant 1 : i32
      %ge3A_327 = arith.cmpi sge, %add3A_307, %ge3A_326 : i32
      %convert_element_type3A_328 = arith.extui %ge3A_327 : i1 to i32
      %cond3A_329 = arith.constant 0 : i32
      %cond3A_330 = arith.cmpi ne, %convert_element_type3A_328, %cond3A_329 : i32
      scf.if %cond3A_330 {
        %dma_wait3A_439 = arith.constant 1 : i32
        %dma_wait3A_440 = arith.constant 0 : i32
        %dma_wait3A_441 = arith.constant 0 : i32
        %dma_wait3A_442 = arith.constant 0 : i32
        %dma_wait3A_443 = tpu.memref_slice %arg7[%dma_wait3A_439, %dma_wait3A_440, %dma_wait3A_441, %dma_wait3A_442] : memref<7x1x4x4096xf32, #tpu.memory_space<vmem>> -> memref<1x1x4x4096xf32, #tpu.memory_space<vmem>>
        %dma_wait3A_444 = tpu.memref_squeeze %dma_wait3A_443 : memref<1x1x4x4096xf32, #tpu.memory_space<vmem>> -> memref<1x4x4096xf32, #tpu.memory_space<vmem>>
        %dma_wait3A_445 = arith.constant 0 : i32
        %dma_wait3A_446 = arith.constant 0 : i32
        %dma_wait3A_447 = arith.constant 0 : i32
        %dma_wait3A_448 = tpu.memref_slice %arg4[%dma_wait3A_445, %dma_wait3A_446, %dma_wait3A_447] : memref<1600x4x4096xf32, #tpu.memory_space<hbm>> -> memref<1x4x4096xf32, #tpu.memory_space<hbm>>
        %dma_wait3A_449 = arith.constant 0 : i32
        %dma_wait3A_450 = arith.constant 0 : i32
        %dma_wait3A_451 = arith.constant 0 : i32
        %dma_wait3A_452 = tpu.memref_slice %arg7[%dma_wait3A_439, %dma_wait3A_449, %dma_wait3A_450, %dma_wait3A_451] : memref<7x1x4x4096xf32, #tpu.memory_space<vmem>> -> memref<1x1x4x4096xf32, #tpu.memory_space<vmem>>
        %dma_wait3A_453 = tpu.memref_squeeze %dma_wait3A_452 : memref<1x1x4x4096xf32, #tpu.memory_space<vmem>> -> memref<1x4x4096xf32, #tpu.memory_space<vmem>>
        %dma_wait3A_454 = arith.constant 0 : i32
        %dma_wait3A_455 = arith.constant 0 : i32
        %dma_wait3A_456 = arith.constant 0 : i32
        %dma_wait3A_457 = tpu.memref_slice %arg4[%dma_wait3A_454, %dma_wait3A_455, %dma_wait3A_456] : memref<1600x4x4096xf32, #tpu.memory_space<hbm>> -> memref<1x4x4096xf32, #tpu.memory_space<hbm>>
        tpu.wait_dma2 semaphore(%arg9 : memref<!tpu.dma_semaphore, #tpu.memory_space<semaphore_mem>>) src(%dma_wait3A_457 : memref<1x4x4096xf32, #tpu.memory_space<hbm>>) dst(%dma_wait3A_453 : memref<1x4x4096xf32, #tpu.memory_space<vmem>>)
        %sub3A = arith.constant 1 : i32
        %sub3A_458 = arith.subi %add3A_307, %sub3A : i32
        %add3A_459 = arith.addi %mul3A_2, %sub3A_458 : i32
        %dma_start3A_460 = arith.constant 1 : i32
        %dma_start3A_461 = arith.constant 0 : i32
        %dma_start3A_462 = arith.constant 0 : i32
        %dma_start3A_463 = arith.constant 0 : i32
        %dma_start3A_464 = tpu.memref_slice %arg7[%dma_start3A_460, %dma_start3A_461, %dma_start3A_462, %dma_start3A_463] : memref<7x1x4x4096xf32, #tpu.memory_space<vmem>> -> memref<1x1x4x4096xf32, #tpu.memory_space<vmem>>
        %dma_start3A_465 = tpu.memref_squeeze %dma_start3A_464 : memref<1x1x4x4096xf32, #tpu.memory_space<vmem>> -> memref<1x4x4096xf32, #tpu.memory_space<vmem>>
        %dma_start3A_466 = arith.constant 0 : i32
        %dma_start3A_467 = arith.constant 0 : i32
        %dma_start3A_468 = tpu.memref_slice %arg4[%add3A_459, %dma_start3A_466, %dma_start3A_467] : memref<1600x4x4096xf32, #tpu.memory_space<hbm>> -> memref<1x4x4096xf32, #tpu.memory_space<hbm>>
        %dma_start3A_469 = arith.constant 0 : i32
        %dma_start3A_470 = arith.constant 0 : i32
        %dma_start3A_471 = tpu.memref_slice %arg4[%add3A_459, %dma_start3A_469, %dma_start3A_470] : memref<1600x4x4096xf32, #tpu.memory_space<hbm>> -> memref<1x4x4096xf32, #tpu.memory_space<hbm>>
        %dma_start3A_472 = arith.constant 0 : i32
        %dma_start3A_473 = arith.constant 0 : i32
        %dma_start3A_474 = arith.constant 0 : i32
        %dma_start3A_475 = tpu.memref_slice %arg7[%dma_start3A_460, %dma_start3A_472, %dma_start3A_473, %dma_start3A_474] : memref<7x1x4x4096xf32, #tpu.memory_space<vmem>> -> memref<1x1x4x4096xf32, #tpu.memory_space<vmem>>
        %dma_start3A_476 = tpu.memref_squeeze %dma_start3A_475 : memref<1x1x4x4096xf32, #tpu.memory_space<vmem>> -> memref<1x4x4096xf32, #tpu.memory_space<vmem>>
        tpu.enqueue_dma source(%dma_start3A_476 : memref<1x4x4096xf32, #tpu.memory_space<vmem>>) target(%dma_start3A_471 : memref<1x4x4096xf32, #tpu.memory_space<hbm>>) target_semaphore(%arg16 : memref<!tpu.dma_semaphore, #tpu.memory_space<semaphore_mem>>)
      } else {
      }
      %mul3A_331 = arith.constant 7 : i32
      %mul3A_332 = arith.muli %scan3A_252, %mul3A_331 : i32
      %add3A_333 = arith.constant 3 : i32
      %add3A_334 = arith.addi %mul3A_332, %add3A_333 : i32
      %ge3A_335 = arith.constant 7 : i32
      %ge3A_336 = arith.cmpi sge, %add3A_334, %ge3A_335 : i32
      %convert_element_type3A_337 = arith.extui %ge3A_336 : i1 to i32
      %cond3A_338 = arith.constant 0 : i32
      %cond3A_339 = arith.cmpi ne, %convert_element_type3A_337, %cond3A_338 : i32
      scf.if %cond3A_339 {
        %dma_wait3A_439 = arith.constant 3 : i32
        %dma_wait3A_440 = arith.constant 0 : i32
        %dma_wait3A_441 = arith.constant 0 : i32
        %dma_wait3A_442 = arith.constant 0 : i32
        %dma_wait3A_443 = tpu.memref_slice %arg7[%dma_wait3A_439, %dma_wait3A_440, %dma_wait3A_441, %dma_wait3A_442] : memref<7x1x4x4096xf32, #tpu.memory_space<vmem>> -> memref<1x1x4x4096xf32, #tpu.memory_space<vmem>>
        %dma_wait3A_444 = tpu.memref_squeeze %dma_wait3A_443 : memref<1x1x4x4096xf32, #tpu.memory_space<vmem>> -> memref<1x4x4096xf32, #tpu.memory_space<vmem>>
        %dma_wait3A_445 = arith.constant 0 : i32
        %dma_wait3A_446 = arith.constant 0 : i32
        %dma_wait3A_447 = arith.constant 0 : i32
        %dma_wait3A_448 = tpu.memref_slice %arg4[%dma_wait3A_445, %dma_wait3A_446, %dma_wait3A_447] : memref<1600x4x4096xf32, #tpu.memory_space<hbm>> -> memref<1x4x4096xf32, #tpu.memory_space<hbm>>
        %dma_wait3A_449 = arith.constant 0 : i32
        %dma_wait3A_450 = arith.constant 0 : i32
        %dma_wait3A_451 = arith.constant 0 : i32
        %dma_wait3A_452 = tpu.memref_slice %arg7[%dma_wait3A_439, %dma_wait3A_449, %dma_wait3A_450, %dma_wait3A_451] : memref<7x1x4x4096xf32, #tpu.memory_space<vmem>> -> memref<1x1x4x4096xf32, #tpu.memory_space<vmem>>
        %dma_wait3A_453 = tpu.memref_squeeze %dma_wait3A_452 : memref<1x1x4x4096xf32, #tpu.memory_space<vmem>> -> memref<1x4x4096xf32, #tpu.memory_space<vmem>>
        %dma_wait3A_454 = arith.constant 0 : i32
        %dma_wait3A_455 = arith.constant 0 : i32
        %dma_wait3A_456 = arith.constant 0 : i32
        %dma_wait3A_457 = tpu.memref_slice %arg4[%dma_wait3A_454, %dma_wait3A_455, %dma_wait3A_456] : memref<1600x4x4096xf32, #tpu.memory_space<hbm>> -> memref<1x4x4096xf32, #tpu.memory_space<hbm>>
        tpu.wait_dma2 semaphore(%arg18 : memref<!tpu.dma_semaphore, #tpu.memory_space<semaphore_mem>>) src(%dma_wait3A_457 : memref<1x4x4096xf32, #tpu.memory_space<hbm>>) dst(%dma_wait3A_453 : memref<1x4x4096xf32, #tpu.memory_space<vmem>>)
      } else {
      }
      %mul3A_340 = arith.constant 16 : i32
      %mul3A_341 = arith.muli %add3A_334, %mul3A_340 : i32
      %dma_start3A_342 = arith.constant 3 : i32
      %dma_start3A_343 = arith.constant 0 : i32
      %dma_start3A_344 = arith.constant 0 : i32
      %dma_start3A_345 = arith.constant 0 : i32
      %dma_start3A_346 = tpu.memref_slice %arg7[%dma_start3A_342, %dma_start3A_343, %dma_start3A_344, %dma_start3A_345] : memref<7x1x4x4096xf32, #tpu.memory_space<vmem>> -> memref<1x1x4x4096xf32, #tpu.memory_space<vmem>>
      %dma_start3A_347 = tpu.memref_squeeze %dma_start3A_346 : memref<1x1x4x4096xf32, #tpu.memory_space<vmem>> -> memref<1x4x4096xf32, #tpu.memory_space<vmem>>
      %dma_start3A_348 = tpu.memref_slice %arg6[%mul3A_341] : memref<800xi32, #tpu.memory_space<vmem>> -> memref<1xi32, #tpu.memory_space<vmem>>
      %dma_start3A_349 = arith.constant 0 : i32
      %dma_start3A_350 = arith.constant 0 : i32
      %dma_start3A_351 = arith.constant 0 : i32
      %dma_start3A_352 = tpu.memref_slice %arg2[%dma_start3A_349, %dma_start3A_350, %dma_start3A_351] : memref<3200x4x4096xf32, #tpu.memory_space<hbm>> -> memref<3200x4x4096xf32, #tpu.memory_space<hbm>>
      tpu.enqueue_indirect_dma source(%dma_start3A_352 : memref<3200x4x4096xf32, #tpu.memory_space<hbm>>) target(%dma_start3A_347 : memref<1x4x4096xf32, #tpu.memory_space<vmem>>) offsets(%dma_start3A_348 : memref<1xi32, #tpu.memory_space<vmem>>) semaphore(%arg11 : memref<!tpu.dma_semaphore, #tpu.memory_space<semaphore_mem>>)
      %ge3A_353 = arith.constant 1 : i32
      %ge3A_354 = arith.cmpi sge, %add3A_334, %ge3A_353 : i32
      %convert_element_type3A_355 = arith.extui %ge3A_354 : i1 to i32
      %cond3A_356 = arith.constant 0 : i32
      %cond3A_357 = arith.cmpi ne, %convert_element_type3A_355, %cond3A_356 : i32
      scf.if %cond3A_357 {
        %dma_wait3A_439 = arith.constant 2 : i32
        %dma_wait3A_440 = arith.constant 0 : i32
        %dma_wait3A_441 = arith.constant 0 : i32
        %dma_wait3A_442 = arith.constant 0 : i32
        %dma_wait3A_443 = tpu.memref_slice %arg7[%dma_wait3A_439, %dma_wait3A_440, %dma_wait3A_441, %dma_wait3A_442] : memref<7x1x4x4096xf32, #tpu.memory_space<vmem>> -> memref<1x1x4x4096xf32, #tpu.memory_space<vmem>>
        %dma_wait3A_444 = tpu.memref_squeeze %dma_wait3A_443 : memref<1x1x4x4096xf32, #tpu.memory_space<vmem>> -> memref<1x4x4096xf32, #tpu.memory_space<vmem>>
        %dma_wait3A_445 = arith.constant 0 : i32
        %dma_wait3A_446 = arith.constant 0 : i32
        %dma_wait3A_447 = arith.constant 0 : i32
        %dma_wait3A_448 = tpu.memref_slice %arg4[%dma_wait3A_445, %dma_wait3A_446, %dma_wait3A_447] : memref<1600x4x4096xf32, #tpu.memory_space<hbm>> -> memref<1x4x4096xf32, #tpu.memory_space<hbm>>
        %dma_wait3A_449 = arith.constant 0 : i32
        %dma_wait3A_450 = arith.constant 0 : i32
        %dma_wait3A_451 = arith.constant 0 : i32
        %dma_wait3A_452 = tpu.memref_slice %arg7[%dma_wait3A_439, %dma_wait3A_449, %dma_wait3A_450, %dma_wait3A_451] : memref<7x1x4x4096xf32, #tpu.memory_space<vmem>> -> memref<1x1x4x4096xf32, #tpu.memory_space<vmem>>
        %dma_wait3A_453 = tpu.memref_squeeze %dma_wait3A_452 : memref<1x1x4x4096xf32, #tpu.memory_space<vmem>> -> memref<1x4x4096xf32, #tpu.memory_space<vmem>>
        %dma_wait3A_454 = arith.constant 0 : i32
        %dma_wait3A_455 = arith.constant 0 : i32
        %dma_wait3A_456 = arith.constant 0 : i32
        %dma_wait3A_457 = tpu.memref_slice %arg4[%dma_wait3A_454, %dma_wait3A_455, %dma_wait3A_456] : memref<1600x4x4096xf32, #tpu.memory_space<hbm>> -> memref<1x4x4096xf32, #tpu.memory_space<hbm>>
        tpu.wait_dma2 semaphore(%arg10 : memref<!tpu.dma_semaphore, #tpu.memory_space<semaphore_mem>>) src(%dma_wait3A_457 : memref<1x4x4096xf32, #tpu.memory_space<hbm>>) dst(%dma_wait3A_453 : memref<1x4x4096xf32, #tpu.memory_space<vmem>>)
        %sub3A = arith.constant 1 : i32
        %sub3A_458 = arith.subi %add3A_334, %sub3A : i32
        %add3A_459 = arith.addi %mul3A_2, %sub3A_458 : i32
        %dma_start3A_460 = arith.constant 2 : i32
        %dma_start3A_461 = arith.constant 0 : i32
        %dma_start3A_462 = arith.constant 0 : i32
        %dma_start3A_463 = arith.constant 0 : i32
        %dma_start3A_464 = tpu.memref_slice %arg7[%dma_start3A_460, %dma_start3A_461, %dma_start3A_462, %dma_start3A_463] : memref<7x1x4x4096xf32, #tpu.memory_space<vmem>> -> memref<1x1x4x4096xf32, #tpu.memory_space<vmem>>
        %dma_start3A_465 = tpu.memref_squeeze %dma_start3A_464 : memref<1x1x4x4096xf32, #tpu.memory_space<vmem>> -> memref<1x4x4096xf32, #tpu.memory_space<vmem>>
        %dma_start3A_466 = arith.constant 0 : i32
        %dma_start3A_467 = arith.constant 0 : i32
        %dma_start3A_468 = tpu.memref_slice %arg4[%add3A_459, %dma_start3A_466, %dma_start3A_467] : memref<1600x4x4096xf32, #tpu.memory_space<hbm>> -> memref<1x4x4096xf32, #tpu.memory_space<hbm>>
        %dma_start3A_469 = arith.constant 0 : i32
        %dma_start3A_470 = arith.constant 0 : i32
        %dma_start3A_471 = tpu.memref_slice %arg4[%add3A_459, %dma_start3A_469, %dma_start3A_470] : memref<1600x4x4096xf32, #tpu.memory_space<hbm>> -> memref<1x4x4096xf32, #tpu.memory_space<hbm>>
        %dma_start3A_472 = arith.constant 0 : i32
        %dma_start3A_473 = arith.constant 0 : i32
        %dma_start3A_474 = arith.constant 0 : i32
        %dma_start3A_475 = tpu.memref_slice %arg7[%dma_start3A_460, %dma_start3A_472, %dma_start3A_473, %dma_start3A_474] : memref<7x1x4x4096xf32, #tpu.memory_space<vmem>> -> memref<1x1x4x4096xf32, #tpu.memory_space<vmem>>
        %dma_start3A_476 = tpu.memref_squeeze %dma_start3A_475 : memref<1x1x4x4096xf32, #tpu.memory_space<vmem>> -> memref<1x4x4096xf32, #tpu.memory_space<vmem>>
        tpu.enqueue_dma source(%dma_start3A_476 : memref<1x4x4096xf32, #tpu.memory_space<vmem>>) target(%dma_start3A_471 : memref<1x4x4096xf32, #tpu.memory_space<hbm>>) target_semaphore(%arg17 : memref<!tpu.dma_semaphore, #tpu.memory_space<semaphore_mem>>)
      } else {
      }
      %mul3A_358 = arith.constant 7 : i32
      %mul3A_359 = arith.muli %scan3A_252, %mul3A_358 : i32
      %add3A_360 = arith.constant 4 : i32
      %add3A_361 = arith.addi %mul3A_359, %add3A_360 : i32
      %ge3A_362 = arith.constant 7 : i32
      %ge3A_363 = arith.cmpi sge, %add3A_361, %ge3A_362 : i32
      %convert_element_type3A_364 = arith.extui %ge3A_363 : i1 to i32
      %cond3A_365 = arith.constant 0 : i32
      %cond3A_366 = arith.cmpi ne, %convert_element_type3A_364, %cond3A_365 : i32
      scf.if %cond3A_366 {
        %dma_wait3A_439 = arith.constant 4 : i32
        %dma_wait3A_440 = arith.constant 0 : i32
        %dma_wait3A_441 = arith.constant 0 : i32
        %dma_wait3A_442 = arith.constant 0 : i32
        %dma_wait3A_443 = tpu.memref_slice %arg7[%dma_wait3A_439, %dma_wait3A_440, %dma_wait3A_441, %dma_wait3A_442] : memref<7x1x4x4096xf32, #tpu.memory_space<vmem>> -> memref<1x1x4x4096xf32, #tpu.memory_space<vmem>>
        %dma_wait3A_444 = tpu.memref_squeeze %dma_wait3A_443 : memref<1x1x4x4096xf32, #tpu.memory_space<vmem>> -> memref<1x4x4096xf32, #tpu.memory_space<vmem>>
        %dma_wait3A_445 = arith.constant 0 : i32
        %dma_wait3A_446 = arith.constant 0 : i32
        %dma_wait3A_447 = arith.constant 0 : i32
        %dma_wait3A_448 = tpu.memref_slice %arg4[%dma_wait3A_445, %dma_wait3A_446, %dma_wait3A_447] : memref<1600x4x4096xf32, #tpu.memory_space<hbm>> -> memref<1x4x4096xf32, #tpu.memory_space<hbm>>
        %dma_wait3A_449 = arith.constant 0 : i32
        %dma_wait3A_450 = arith.constant 0 : i32
        %dma_wait3A_451 = arith.constant 0 : i32
        %dma_wait3A_452 = tpu.memref_slice %arg7[%dma_wait3A_439, %dma_wait3A_449, %dma_wait3A_450, %dma_wait3A_451] : memref<7x1x4x4096xf32, #tpu.memory_space<vmem>> -> memref<1x1x4x4096xf32, #tpu.memory_space<vmem>>
        %dma_wait3A_453 = tpu.memref_squeeze %dma_wait3A_452 : memref<1x1x4x4096xf32, #tpu.memory_space<vmem>> -> memref<1x4x4096xf32, #tpu.memory_space<vmem>>
        %dma_wait3A_454 = arith.constant 0 : i32
        %dma_wait3A_455 = arith.constant 0 : i32
        %dma_wait3A_456 = arith.constant 0 : i32
        %dma_wait3A_457 = tpu.memref_slice %arg4[%dma_wait3A_454, %dma_wait3A_455, %dma_wait3A_456] : memref<1600x4x4096xf32, #tpu.memory_space<hbm>> -> memref<1x4x4096xf32, #tpu.memory_space<hbm>>
        tpu.wait_dma2 semaphore(%arg19 : memref<!tpu.dma_semaphore, #tpu.memory_space<semaphore_mem>>) src(%dma_wait3A_457 : memref<1x4x4096xf32, #tpu.memory_space<hbm>>) dst(%dma_wait3A_453 : memref<1x4x4096xf32, #tpu.memory_space<vmem>>)
      } else {
      }
      %mul3A_367 = arith.constant 16 : i32
      %mul3A_368 = arith.muli %add3A_361, %mul3A_367 : i32
      %dma_start3A_369 = arith.constant 4 : i32
      %dma_start3A_370 = arith.constant 0 : i32
      %dma_start3A_371 = arith.constant 0 : i32
      %dma_start3A_372 = arith.constant 0 : i32
      %dma_start3A_373 = tpu.memref_slice %arg7[%dma_start3A_369, %dma_start3A_370, %dma_start3A_371, %dma_start3A_372] : memref<7x1x4x4096xf32, #tpu.memory_space<vmem>> -> memref<1x1x4x4096xf32, #tpu.memory_space<vmem>>
      %dma_start3A_374 = tpu.memref_squeeze %dma_start3A_373 : memref<1x1x4x4096xf32, #tpu.memory_space<vmem>> -> memref<1x4x4096xf32, #tpu.memory_space<vmem>>
      %dma_start3A_375 = tpu.memref_slice %arg6[%mul3A_368] : memref<800xi32, #tpu.memory_space<vmem>> -> memref<1xi32, #tpu.memory_space<vmem>>
      %dma_start3A_376 = arith.constant 0 : i32
      %dma_start3A_377 = arith.constant 0 : i32
      %dma_start3A_378 = arith.constant 0 : i32
      %dma_start3A_379 = tpu.memref_slice %arg2[%dma_start3A_376, %dma_start3A_377, %dma_start3A_378] : memref<3200x4x4096xf32, #tpu.memory_space<hbm>> -> memref<3200x4x4096xf32, #tpu.memory_space<hbm>>
      tpu.enqueue_indirect_dma source(%dma_start3A_379 : memref<3200x4x4096xf32, #tpu.memory_space<hbm>>) target(%dma_start3A_374 : memref<1x4x4096xf32, #tpu.memory_space<vmem>>) offsets(%dma_start3A_375 : memref<1xi32, #tpu.memory_space<vmem>>) semaphore(%arg12 : memref<!tpu.dma_semaphore, #tpu.memory_space<semaphore_mem>>)
      %ge3A_380 = arith.constant 1 : i32
      %ge3A_381 = arith.cmpi sge, %add3A_361, %ge3A_380 : i32
      %convert_element_type3A_382 = arith.extui %ge3A_381 : i1 to i32
      %cond3A_383 = arith.constant 0 : i32
      %cond3A_384 = arith.cmpi ne, %convert_element_type3A_382, %cond3A_383 : i32
      scf.if %cond3A_384 {
        %dma_wait3A_439 = arith.constant 3 : i32
        %dma_wait3A_440 = arith.constant 0 : i32
        %dma_wait3A_441 = arith.constant 0 : i32
        %dma_wait3A_442 = arith.constant 0 : i32
        %dma_wait3A_443 = tpu.memref_slice %arg7[%dma_wait3A_439, %dma_wait3A_440, %dma_wait3A_441, %dma_wait3A_442] : memref<7x1x4x4096xf32, #tpu.memory_space<vmem>> -> memref<1x1x4x4096xf32, #tpu.memory_space<vmem>>
        %dma_wait3A_444 = tpu.memref_squeeze %dma_wait3A_443 : memref<1x1x4x4096xf32, #tpu.memory_space<vmem>> -> memref<1x4x4096xf32, #tpu.memory_space<vmem>>
        %dma_wait3A_445 = arith.constant 0 : i32
        %dma_wait3A_446 = arith.constant 0 : i32
        %dma_wait3A_447 = arith.constant 0 : i32
        %dma_wait3A_448 = tpu.memref_slice %arg4[%dma_wait3A_445, %dma_wait3A_446, %dma_wait3A_447] : memref<1600x4x4096xf32, #tpu.memory_space<hbm>> -> memref<1x4x4096xf32, #tpu.memory_space<hbm>>
        %dma_wait3A_449 = arith.constant 0 : i32
        %dma_wait3A_450 = arith.constant 0 : i32
        %dma_wait3A_451 = arith.constant 0 : i32
        %dma_wait3A_452 = tpu.memref_slice %arg7[%dma_wait3A_439, %dma_wait3A_449, %dma_wait3A_450, %dma_wait3A_451] : memref<7x1x4x4096xf32, #tpu.memory_space<vmem>> -> memref<1x1x4x4096xf32, #tpu.memory_space<vmem>>
        %dma_wait3A_453 = tpu.memref_squeeze %dma_wait3A_452 : memref<1x1x4x4096xf32, #tpu.memory_space<vmem>> -> memref<1x4x4096xf32, #tpu.memory_space<vmem>>
        %dma_wait3A_454 = arith.constant 0 : i32
        %dma_wait3A_455 = arith.constant 0 : i32
        %dma_wait3A_456 = arith.constant 0 : i32
        %dma_wait3A_457 = tpu.memref_slice %arg4[%dma_wait3A_454, %dma_wait3A_455, %dma_wait3A_456] : memref<1600x4x4096xf32, #tpu.memory_space<hbm>> -> memref<1x4x4096xf32, #tpu.memory_space<hbm>>
        tpu.wait_dma2 semaphore(%arg11 : memref<!tpu.dma_semaphore, #tpu.memory_space<semaphore_mem>>) src(%dma_wait3A_457 : memref<1x4x4096xf32, #tpu.memory_space<hbm>>) dst(%dma_wait3A_453 : memref<1x4x4096xf32, #tpu.memory_space<vmem>>)
        %sub3A = arith.constant 1 : i32
        %sub3A_458 = arith.subi %add3A_361, %sub3A : i32
        %add3A_459 = arith.addi %mul3A_2, %sub3A_458 : i32
        %dma_start3A_460 = arith.constant 3 : i32
        %dma_start3A_461 = arith.constant 0 : i32
        %dma_start3A_462 = arith.constant 0 : i32
        %dma_start3A_463 = arith.constant 0 : i32
        %dma_start3A_464 = tpu.memref_slice %arg7[%dma_start3A_460, %dma_start3A_461, %dma_start3A_462, %dma_start3A_463] : memref<7x1x4x4096xf32, #tpu.memory_space<vmem>> -> memref<1x1x4x4096xf32, #tpu.memory_space<vmem>>
        %dma_start3A_465 = tpu.memref_squeeze %dma_start3A_464 : memref<1x1x4x4096xf32, #tpu.memory_space<vmem>> -> memref<1x4x4096xf32, #tpu.memory_space<vmem>>
        %dma_start3A_466 = arith.constant 0 : i32
        %dma_start3A_467 = arith.constant 0 : i32
        %dma_start3A_468 = tpu.memref_slice %arg4[%add3A_459, %dma_start3A_466, %dma_start3A_467] : memref<1600x4x4096xf32, #tpu.memory_space<hbm>> -> memref<1x4x4096xf32, #tpu.memory_space<hbm>>
        %dma_start3A_469 = arith.constant 0 : i32
        %dma_start3A_470 = arith.constant 0 : i32
        %dma_start3A_471 = tpu.memref_slice %arg4[%add3A_459, %dma_start3A_469, %dma_start3A_470] : memref<1600x4x4096xf32, #tpu.memory_space<hbm>> -> memref<1x4x4096xf32, #tpu.memory_space<hbm>>
        %dma_start3A_472 = arith.constant 0 : i32
        %dma_start3A_473 = arith.constant 0 : i32
        %dma_start3A_474 = arith.constant 0 : i32
        %dma_start3A_475 = tpu.memref_slice %arg7[%dma_start3A_460, %dma_start3A_472, %dma_start3A_473, %dma_start3A_474] : memref<7x1x4x4096xf32, #tpu.memory_space<vmem>> -> memref<1x1x4x4096xf32, #tpu.memory_space<vmem>>
        %dma_start3A_476 = tpu.memref_squeeze %dma_start3A_475 : memref<1x1x4x4096xf32, #tpu.memory_space<vmem>> -> memref<1x4x4096xf32, #tpu.memory_space<vmem>>
        tpu.enqueue_dma source(%dma_start3A_476 : memref<1x4x4096xf32, #tpu.memory_space<vmem>>) target(%dma_start3A_471 : memref<1x4x4096xf32, #tpu.memory_space<hbm>>) target_semaphore(%arg18 : memref<!tpu.dma_semaphore, #tpu.memory_space<semaphore_mem>>)
      } else {
      }
      %mul3A_385 = arith.constant 7 : i32
      %mul3A_386 = arith.muli %scan3A_252, %mul3A_385 : i32
      %add3A_387 = arith.constant 5 : i32
      %add3A_388 = arith.addi %mul3A_386, %add3A_387 : i32
      %ge3A_389 = arith.constant 7 : i32
      %ge3A_390 = arith.cmpi sge, %add3A_388, %ge3A_389 : i32
      %convert_element_type3A_391 = arith.extui %ge3A_390 : i1 to i32
      %cond3A_392 = arith.constant 0 : i32
      %cond3A_393 = arith.cmpi ne, %convert_element_type3A_391, %cond3A_392 : i32
      scf.if %cond3A_393 {
        %dma_wait3A_439 = arith.constant 5 : i32
        %dma_wait3A_440 = arith.constant 0 : i32
        %dma_wait3A_441 = arith.constant 0 : i32
        %dma_wait3A_442 = arith.constant 0 : i32
        %dma_wait3A_443 = tpu.memref_slice %arg7[%dma_wait3A_439, %dma_wait3A_440, %dma_wait3A_441, %dma_wait3A_442] : memref<7x1x4x4096xf32, #tpu.memory_space<vmem>> -> memref<1x1x4x4096xf32, #tpu.memory_space<vmem>>
        %dma_wait3A_444 = tpu.memref_squeeze %dma_wait3A_443 : memref<1x1x4x4096xf32, #tpu.memory_space<vmem>> -> memref<1x4x4096xf32, #tpu.memory_space<vmem>>
        %dma_wait3A_445 = arith.constant 0 : i32
        %dma_wait3A_446 = arith.constant 0 : i32
        %dma_wait3A_447 = arith.constant 0 : i32
        %dma_wait3A_448 = tpu.memref_slice %arg4[%dma_wait3A_445, %dma_wait3A_446, %dma_wait3A_447] : memref<1600x4x4096xf32, #tpu.memory_space<hbm>> -> memref<1x4x4096xf32, #tpu.memory_space<hbm>>
        %dma_wait3A_449 = arith.constant 0 : i32
        %dma_wait3A_450 = arith.constant 0 : i32
        %dma_wait3A_451 = arith.constant 0 : i32
        %dma_wait3A_452 = tpu.memref_slice %arg7[%dma_wait3A_439, %dma_wait3A_449, %dma_wait3A_450, %dma_wait3A_451] : memref<7x1x4x4096xf32, #tpu.memory_space<vmem>> -> memref<1x1x4x4096xf32, #tpu.memory_space<vmem>>
        %dma_wait3A_453 = tpu.memref_squeeze %dma_wait3A_452 : memref<1x1x4x4096xf32, #tpu.memory_space<vmem>> -> memref<1x4x4096xf32, #tpu.memory_space<vmem>>
        %dma_wait3A_454 = arith.constant 0 : i32
        %dma_wait3A_455 = arith.constant 0 : i32
        %dma_wait3A_456 = arith.constant 0 : i32
        %dma_wait3A_457 = tpu.memref_slice %arg4[%dma_wait3A_454, %dma_wait3A_455, %dma_wait3A_456] : memref<1600x4x4096xf32, #tpu.memory_space<hbm>> -> memref<1x4x4096xf32, #tpu.memory_space<hbm>>
        tpu.wait_dma2 semaphore(%arg20 : memref<!tpu.dma_semaphore, #tpu.memory_space<semaphore_mem>>) src(%dma_wait3A_457 : memref<1x4x4096xf32, #tpu.memory_space<hbm>>) dst(%dma_wait3A_453 : memref<1x4x4096xf32, #tpu.memory_space<vmem>>)
      } else {
      }
      %mul3A_394 = arith.constant 16 : i32
      %mul3A_395 = arith.muli %add3A_388, %mul3A_394 : i32
      %dma_start3A_396 = arith.constant 5 : i32
      %dma_start3A_397 = arith.constant 0 : i32
      %dma_start3A_398 = arith.constant 0 : i32
      %dma_start3A_399 = arith.constant 0 : i32
      %dma_start3A_400 = tpu.memref_slice %arg7[%dma_start3A_396, %dma_start3A_397, %dma_start3A_398, %dma_start3A_399] : memref<7x1x4x4096xf32, #tpu.memory_space<vmem>> -> memref<1x1x4x4096xf32, #tpu.memory_space<vmem>>
      %dma_start3A_401 = tpu.memref_squeeze %dma_start3A_400 : memref<1x1x4x4096xf32, #tpu.memory_space<vmem>> -> memref<1x4x4096xf32, #tpu.memory_space<vmem>>
      %dma_start3A_402 = tpu.memref_slice %arg6[%mul3A_395] : memref<800xi32, #tpu.memory_space<vmem>> -> memref<1xi32, #tpu.memory_space<vmem>>
      %dma_start3A_403 = arith.constant 0 : i32
      %dma_start3A_404 = arith.constant 0 : i32
      %dma_start3A_405 = arith.constant 0 : i32
      %dma_start3A_406 = tpu.memref_slice %arg2[%dma_start3A_403, %dma_start3A_404, %dma_start3A_405] : memref<3200x4x4096xf32, #tpu.memory_space<hbm>> -> memref<3200x4x4096xf32, #tpu.memory_space<hbm>>
      tpu.enqueue_indirect_dma source(%dma_start3A_406 : memref<3200x4x4096xf32, #tpu.memory_space<hbm>>) target(%dma_start3A_401 : memref<1x4x4096xf32, #tpu.memory_space<vmem>>) offsets(%dma_start3A_402 : memref<1xi32, #tpu.memory_space<vmem>>) semaphore(%arg13 : memref<!tpu.dma_semaphore, #tpu.memory_space<semaphore_mem>>)
      %ge3A_407 = arith.constant 1 : i32
      %ge3A_408 = arith.cmpi sge, %add3A_388, %ge3A_407 : i32
      %convert_element_type3A_409 = arith.extui %ge3A_408 : i1 to i32
      %cond3A_410 = arith.constant 0 : i32
      %cond3A_411 = arith.cmpi ne, %convert_element_type3A_409, %cond3A_410 : i32
      scf.if %cond3A_411 {
        %dma_wait3A_439 = arith.constant 4 : i32
        %dma_wait3A_440 = arith.constant 0 : i32
        %dma_wait3A_441 = arith.constant 0 : i32
        %dma_wait3A_442 = arith.constant 0 : i32
        %dma_wait3A_443 = tpu.memref_slice %arg7[%dma_wait3A_439, %dma_wait3A_440, %dma_wait3A_441, %dma_wait3A_442] : memref<7x1x4x4096xf32, #tpu.memory_space<vmem>> -> memref<1x1x4x4096xf32, #tpu.memory_space<vmem>>
        %dma_wait3A_444 = tpu.memref_squeeze %dma_wait3A_443 : memref<1x1x4x4096xf32, #tpu.memory_space<vmem>> -> memref<1x4x4096xf32, #tpu.memory_space<vmem>>
        %dma_wait3A_445 = arith.constant 0 : i32
        %dma_wait3A_446 = arith.constant 0 : i32
        %dma_wait3A_447 = arith.constant 0 : i32
        %dma_wait3A_448 = tpu.memref_slice %arg4[%dma_wait3A_445, %dma_wait3A_446, %dma_wait3A_447] : memref<1600x4x4096xf32, #tpu.memory_space<hbm>> -> memref<1x4x4096xf32, #tpu.memory_space<hbm>>
        %dma_wait3A_449 = arith.constant 0 : i32
        %dma_wait3A_450 = arith.constant 0 : i32
        %dma_wait3A_451 = arith.constant 0 : i32
        %dma_wait3A_452 = tpu.memref_slice %arg7[%dma_wait3A_439, %dma_wait3A_449, %dma_wait3A_450, %dma_wait3A_451] : memref<7x1x4x4096xf32, #tpu.memory_space<vmem>> -> memref<1x1x4x4096xf32, #tpu.memory_space<vmem>>
        %dma_wait3A_453 = tpu.memref_squeeze %dma_wait3A_452 : memref<1x1x4x4096xf32, #tpu.memory_space<vmem>> -> memref<1x4x4096xf32, #tpu.memory_space<vmem>>
        %dma_wait3A_454 = arith.constant 0 : i32
        %dma_wait3A_455 = arith.constant 0 : i32
        %dma_wait3A_456 = arith.constant 0 : i32
        %dma_wait3A_457 = tpu.memref_slice %arg4[%dma_wait3A_454, %dma_wait3A_455, %dma_wait3A_456] : memref<1600x4x4096xf32, #tpu.memory_space<hbm>> -> memref<1x4x4096xf32, #tpu.memory_space<hbm>>
        tpu.wait_dma2 semaphore(%arg12 : memref<!tpu.dma_semaphore, #tpu.memory_space<semaphore_mem>>) src(%dma_wait3A_457 : memref<1x4x4096xf32, #tpu.memory_space<hbm>>) dst(%dma_wait3A_453 : memref<1x4x4096xf32, #tpu.memory_space<vmem>>)
        %sub3A = arith.constant 1 : i32
        %sub3A_458 = arith.subi %add3A_388, %sub3A : i32
        %add3A_459 = arith.addi %mul3A_2, %sub3A_458 : i32
        %dma_start3A_460 = arith.constant 4 : i32
        %dma_start3A_461 = arith.constant 0 : i32
        %dma_start3A_462 = arith.constant 0 : i32
        %dma_start3A_463 = arith.constant 0 : i32
        %dma_start3A_464 = tpu.memref_slice %arg7[%dma_start3A_460, %dma_start3A_461, %dma_start3A_462, %dma_start3A_463] : memref<7x1x4x4096xf32, #tpu.memory_space<vmem>> -> memref<1x1x4x4096xf32, #tpu.memory_space<vmem>>
        %dma_start3A_465 = tpu.memref_squeeze %dma_start3A_464 : memref<1x1x4x4096xf32, #tpu.memory_space<vmem>> -> memref<1x4x4096xf32, #tpu.memory_space<vmem>>
        %dma_start3A_466 = arith.constant 0 : i32
        %dma_start3A_467 = arith.constant 0 : i32
        %dma_start3A_468 = tpu.memref_slice %arg4[%add3A_459, %dma_start3A_466, %dma_start3A_467] : memref<1600x4x4096xf32, #tpu.memory_space<hbm>> -> memref<1x4x4096xf32, #tpu.memory_space<hbm>>
        %dma_start3A_469 = arith.constant 0 : i32
        %dma_start3A_470 = arith.constant 0 : i32
        %dma_start3A_471 = tpu.memref_slice %arg4[%add3A_459, %dma_start3A_469, %dma_start3A_470] : memref<1600x4x4096xf32, #tpu.memory_space<hbm>> -> memref<1x4x4096xf32, #tpu.memory_space<hbm>>
        %dma_start3A_472 = arith.constant 0 : i32
        %dma_start3A_473 = arith.constant 0 : i32
        %dma_start3A_474 = arith.constant 0 : i32
        %dma_start3A_475 = tpu.memref_slice %arg7[%dma_start3A_460, %dma_start3A_472, %dma_start3A_473, %dma_start3A_474] : memref<7x1x4x4096xf32, #tpu.memory_space<vmem>> -> memref<1x1x4x4096xf32, #tpu.memory_space<vmem>>
        %dma_start3A_476 = tpu.memref_squeeze %dma_start3A_475 : memref<1x1x4x4096xf32, #tpu.memory_space<vmem>> -> memref<1x4x4096xf32, #tpu.memory_space<vmem>>
        tpu.enqueue_dma source(%dma_start3A_476 : memref<1x4x4096xf32, #tpu.memory_space<vmem>>) target(%dma_start3A_471 : memref<1x4x4096xf32, #tpu.memory_space<hbm>>) target_semaphore(%arg19 : memref<!tpu.dma_semaphore, #tpu.memory_space<semaphore_mem>>)
      } else {
      }
      %mul3A_412 = arith.constant 7 : i32
      %mul3A_413 = arith.muli %scan3A_252, %mul3A_412 : i32
      %add3A_414 = arith.constant 6 : i32
      %add3A_415 = arith.addi %mul3A_413, %add3A_414 : i32
      %ge3A_416 = arith.constant 7 : i32
      %ge3A_417 = arith.cmpi sge, %add3A_415, %ge3A_416 : i32
      %convert_element_type3A_418 = arith.extui %ge3A_417 : i1 to i32
      %cond3A_419 = arith.constant 0 : i32
      %cond3A_420 = arith.cmpi ne, %convert_element_type3A_418, %cond3A_419 : i32
      scf.if %cond3A_420 {
        %dma_wait3A_439 = arith.constant 6 : i32
        %dma_wait3A_440 = arith.constant 0 : i32
        %dma_wait3A_441 = arith.constant 0 : i32
        %dma_wait3A_442 = arith.constant 0 : i32
        %dma_wait3A_443 = tpu.memref_slice %arg7[%dma_wait3A_439, %dma_wait3A_440, %dma_wait3A_441, %dma_wait3A_442] : memref<7x1x4x4096xf32, #tpu.memory_space<vmem>> -> memref<1x1x4x4096xf32, #tpu.memory_space<vmem>>
        %dma_wait3A_444 = tpu.memref_squeeze %dma_wait3A_443 : memref<1x1x4x4096xf32, #tpu.memory_space<vmem>> -> memref<1x4x4096xf32, #tpu.memory_space<vmem>>
        %dma_wait3A_445 = arith.constant 0 : i32
        %dma_wait3A_446 = arith.constant 0 : i32
        %dma_wait3A_447 = arith.constant 0 : i32
        %dma_wait3A_448 = tpu.memref_slice %arg4[%dma_wait3A_445, %dma_wait3A_446, %dma_wait3A_447] : memref<1600x4x4096xf32, #tpu.memory_space<hbm>> -> memref<1x4x4096xf32, #tpu.memory_space<hbm>>
        %dma_wait3A_449 = arith.constant 0 : i32
        %dma_wait3A_450 = arith.constant 0 : i32
        %dma_wait3A_451 = arith.constant 0 : i32
        %dma_wait3A_452 = tpu.memref_slice %arg7[%dma_wait3A_439, %dma_wait3A_449, %dma_wait3A_450, %dma_wait3A_451] : memref<7x1x4x4096xf32, #tpu.memory_space<vmem>> -> memref<1x1x4x4096xf32, #tpu.memory_space<vmem>>
        %dma_wait3A_453 = tpu.memref_squeeze %dma_wait3A_452 : memref<1x1x4x4096xf32, #tpu.memory_space<vmem>> -> memref<1x4x4096xf32, #tpu.memory_space<vmem>>
        %dma_wait3A_454 = arith.constant 0 : i32
        %dma_wait3A_455 = arith.constant 0 : i32
        %dma_wait3A_456 = arith.constant 0 : i32
        %dma_wait3A_457 = tpu.memref_slice %arg4[%dma_wait3A_454, %dma_wait3A_455, %dma_wait3A_456] : memref<1600x4x4096xf32, #tpu.memory_space<hbm>> -> memref<1x4x4096xf32, #tpu.memory_space<hbm>>
        tpu.wait_dma2 semaphore(%arg21 : memref<!tpu.dma_semaphore, #tpu.memory_space<semaphore_mem>>) src(%dma_wait3A_457 : memref<1x4x4096xf32, #tpu.memory_space<hbm>>) dst(%dma_wait3A_453 : memref<1x4x4096xf32, #tpu.memory_space<vmem>>)
      } else {
      }
      %mul3A_421 = arith.constant 16 : i32
      %mul3A_422 = arith.muli %add3A_415, %mul3A_421 : i32
      %dma_start3A_423 = arith.constant 6 : i32
      %dma_start3A_424 = arith.constant 0 : i32
      %dma_start3A_425 = arith.constant 0 : i32
      %dma_start3A_426 = arith.constant 0 : i32
      %dma_start3A_427 = tpu.memref_slice %arg7[%dma_start3A_423, %dma_start3A_424, %dma_start3A_425, %dma_start3A_426] : memref<7x1x4x4096xf32, #tpu.memory_space<vmem>> -> memref<1x1x4x4096xf32, #tpu.memory_space<vmem>>
      %dma_start3A_428 = tpu.memref_squeeze %dma_start3A_427 : memref<1x1x4x4096xf32, #tpu.memory_space<vmem>> -> memref<1x4x4096xf32, #tpu.memory_space<vmem>>
      %dma_start3A_429 = tpu.memref_slice %arg6[%mul3A_422] : memref<800xi32, #tpu.memory_space<vmem>> -> memref<1xi32, #tpu.memory_space<vmem>>
      %dma_start3A_430 = arith.constant 0 : i32
      %dma_start3A_431 = arith.constant 0 : i32
      %dma_start3A_432 = arith.constant 0 : i32
      %dma_start3A_433 = tpu.memref_slice %arg2[%dma_start3A_430, %dma_start3A_431, %dma_start3A_432] : memref<3200x4x4096xf32, #tpu.memory_space<hbm>> -> memref<3200x4x4096xf32, #tpu.memory_space<hbm>>
      tpu.enqueue_indirect_dma source(%dma_start3A_433 : memref<3200x4x4096xf32, #tpu.memory_space<hbm>>) target(%dma_start3A_428 : memref<1x4x4096xf32, #tpu.memory_space<vmem>>) offsets(%dma_start3A_429 : memref<1xi32, #tpu.memory_space<vmem>>) semaphore(%arg14 : memref<!tpu.dma_semaphore, #tpu.memory_space<semaphore_mem>>)
      %ge3A_434 = arith.constant 1 : i32
      %ge3A_435 = arith.cmpi sge, %add3A_415, %ge3A_434 : i32
      %convert_element_type3A_436 = arith.extui %ge3A_435 : i1 to i32
      %cond3A_437 = arith.constant 0 : i32
      %cond3A_438 = arith.cmpi ne, %convert_element_type3A_436, %cond3A_437 : i32
      scf.if %cond3A_438 {
        %dma_wait3A_439 = arith.constant 5 : i32
        %dma_wait3A_440 = arith.constant 0 : i32
        %dma_wait3A_441 = arith.constant 0 : i32
        %dma_wait3A_442 = arith.constant 0 : i32
        %dma_wait3A_443 = tpu.memref_slice %arg7[%dma_wait3A_439, %dma_wait3A_440, %dma_wait3A_441, %dma_wait3A_442] : memref<7x1x4x4096xf32, #tpu.memory_space<vmem>> -> memref<1x1x4x4096xf32, #tpu.memory_space<vmem>>
        %dma_wait3A_444 = tpu.memref_squeeze %dma_wait3A_443 : memref<1x1x4x4096xf32, #tpu.memory_space<vmem>> -> memref<1x4x4096xf32, #tpu.memory_space<vmem>>
        %dma_wait3A_445 = arith.constant 0 : i32
        %dma_wait3A_446 = arith.constant 0 : i32
        %dma_wait3A_447 = arith.constant 0 : i32
        %dma_wait3A_448 = tpu.memref_slice %arg4[%dma_wait3A_445, %dma_wait3A_446, %dma_wait3A_447] : memref<1600x4x4096xf32, #tpu.memory_space<hbm>> -> memref<1x4x4096xf32, #tpu.memory_space<hbm>>
        %dma_wait3A_449 = arith.constant 0 : i32
        %dma_wait3A_450 = arith.constant 0 : i32
        %dma_wait3A_451 = arith.constant 0 : i32
        %dma_wait3A_452 = tpu.memref_slice %arg7[%dma_wait3A_439, %dma_wait3A_449, %dma_wait3A_450, %dma_wait3A_451] : memref<7x1x4x4096xf32, #tpu.memory_space<vmem>> -> memref<1x1x4x4096xf32, #tpu.memory_space<vmem>>
        %dma_wait3A_453 = tpu.memref_squeeze %dma_wait3A_452 : memref<1x1x4x4096xf32, #tpu.memory_space<vmem>> -> memref<1x4x4096xf32, #tpu.memory_space<vmem>>
        %dma_wait3A_454 = arith.constant 0 : i32
        %dma_wait3A_455 = arith.constant 0 : i32
        %dma_wait3A_456 = arith.constant 0 : i32
        %dma_wait3A_457 = tpu.memref_slice %arg4[%dma_wait3A_454, %dma_wait3A_455, %dma_wait3A_456] : memref<1600x4x4096xf32, #tpu.memory_space<hbm>> -> memref<1x4x4096xf32, #tpu.memory_space<hbm>>
        tpu.wait_dma2 semaphore(%arg13 : memref<!tpu.dma_semaphore, #tpu.memory_space<semaphore_mem>>) src(%dma_wait3A_457 : memref<1x4x4096xf32, #tpu.memory_space<hbm>>) dst(%dma_wait3A_453 : memref<1x4x4096xf32, #tpu.memory_space<vmem>>)
        %sub3A = arith.constant 1 : i32
        %sub3A_458 = arith.subi %add3A_415, %sub3A : i32
        %add3A_459 = arith.addi %mul3A_2, %sub3A_458 : i32
        %dma_start3A_460 = arith.constant 5 : i32
        %dma_start3A_461 = arith.constant 0 : i32
        %dma_start3A_462 = arith.constant 0 : i32
        %dma_start3A_463 = arith.constant 0 : i32
        %dma_start3A_464 = tpu.memref_slice %arg7[%dma_start3A_460, %dma_start3A_461, %dma_start3A_462, %dma_start3A_463] : memref<7x1x4x4096xf32, #tpu.memory_space<vmem>> -> memref<1x1x4x4096xf32, #tpu.memory_space<vmem>>
        %dma_start3A_465 = tpu.memref_squeeze %dma_start3A_464 : memref<1x1x4x4096xf32, #tpu.memory_space<vmem>> -> memref<1x4x4096xf32, #tpu.memory_space<vmem>>
        %dma_start3A_466 = arith.constant 0 : i32
        %dma_start3A_467 = arith.constant 0 : i32
        %dma_start3A_468 = tpu.memref_slice %arg4[%add3A_459, %dma_start3A_466, %dma_start3A_467] : memref<1600x4x4096xf32, #tpu.memory_space<hbm>> -> memref<1x4x4096xf32, #tpu.memory_space<hbm>>
        %dma_start3A_469 = arith.constant 0 : i32
        %dma_start3A_470 = arith.constant 0 : i32
        %dma_start3A_471 = tpu.memref_slice %arg4[%add3A_459, %dma_start3A_469, %dma_start3A_470] : memref<1600x4x4096xf32, #tpu.memory_space<hbm>> -> memref<1x4x4096xf32, #tpu.memory_space<hbm>>
        %dma_start3A_472 = arith.constant 0 : i32
        %dma_start3A_473 = arith.constant 0 : i32
        %dma_start3A_474 = arith.constant 0 : i32
        %dma_start3A_475 = tpu.memref_slice %arg7[%dma_start3A_460, %dma_start3A_472, %dma_start3A_473, %dma_start3A_474] : memref<7x1x4x4096xf32, #tpu.memory_space<vmem>> -> memref<1x1x4x4096xf32, #tpu.memory_space<vmem>>
        %dma_start3A_476 = tpu.memref_squeeze %dma_start3A_475 : memref<1x1x4x4096xf32, #tpu.memory_space<vmem>> -> memref<1x4x4096xf32, #tpu.memory_space<vmem>>
        tpu.enqueue_dma source(%dma_start3A_476 : memref<1x4x4096xf32, #tpu.memory_space<vmem>>) target(%dma_start3A_471 : memref<1x4x4096xf32, #tpu.memory_space<hbm>>) target_semaphore(%arg20 : memref<!tpu.dma_semaphore, #tpu.memory_space<semaphore_mem>>)
      } else {
      }
    }
    %scan3A_13 = arith.constant 7 : i32
    %dma_wait3A = arith.constant 0 : i32
    %dma_wait3A_14 = arith.constant 0 : i32
    %dma_wait3A_15 = arith.constant 0 : i32
    %dma_wait3A_16 = arith.constant 0 : i32
    %dma_wait3A_17 = tpu.memref_slice %arg7[%dma_wait3A, %dma_wait3A_14, %dma_wait3A_15, %dma_wait3A_16] : memref<7x1x4x4096xf32, #tpu.memory_space<vmem>> -> memref<1x1x4x4096xf32, #tpu.memory_space<vmem>>
    %dma_wait3A_18 = tpu.memref_squeeze %dma_wait3A_17 : memref<1x1x4x4096xf32, #tpu.memory_space<vmem>> -> memref<1x4x4096xf32, #tpu.memory_space<vmem>>
    %dma_wait3A_19 = arith.constant 0 : i32
    %dma_wait3A_20 = arith.constant 0 : i32
    %dma_wait3A_21 = arith.constant 0 : i32
    %dma_wait3A_22 = tpu.memref_slice %arg4[%dma_wait3A_19, %dma_wait3A_20, %dma_wait3A_21] : memref<1600x4x4096xf32, #tpu.memory_space<hbm>> -> memref<1x4x4096xf32, #tpu.memory_space<hbm>>
    %dma_wait3A_23 = arith.constant 0 : i32
    %dma_wait3A_24 = arith.constant 0 : i32
    %dma_wait3A_25 = arith.constant 0 : i32
    %dma_wait3A_26 = tpu.memref_slice %arg7[%dma_wait3A, %dma_wait3A_23, %dma_wait3A_24, %dma_wait3A_25] : memref<7x1x4x4096xf32, #tpu.memory_space<vmem>> -> memref<1x1x4x4096xf32, #tpu.memory_space<vmem>>
    %dma_wait3A_27 = tpu.memref_squeeze %dma_wait3A_26 : memref<1x1x4x4096xf32, #tpu.memory_space<vmem>> -> memref<1x4x4096xf32, #tpu.memory_space<vmem>>
    %dma_wait3A_28 = arith.constant 0 : i32
    %dma_wait3A_29 = arith.constant 0 : i32
    %dma_wait3A_30 = arith.constant 0 : i32
    %dma_wait3A_31 = tpu.memref_slice %arg4[%dma_wait3A_28, %dma_wait3A_29, %dma_wait3A_30] : memref<1600x4x4096xf32, #tpu.memory_space<hbm>> -> memref<1x4x4096xf32, #tpu.memory_space<hbm>>
    tpu.wait_dma2 semaphore(%arg15 : memref<!tpu.dma_semaphore, #tpu.memory_space<semaphore_mem>>) src(%dma_wait3A_31 : memref<1x4x4096xf32, #tpu.memory_space<hbm>>) dst(%dma_wait3A_27 : memref<1x4x4096xf32, #tpu.memory_space<vmem>>)
    %dma_start3A = arith.constant 0 : i32
    %dma_start3A_32 = arith.constant 0 : i32
    %dma_start3A_33 = arith.constant 0 : i32
    %dma_start3A_34 = arith.constant 0 : i32
    %dma_start3A_35 = tpu.memref_slice %arg7[%dma_start3A, %dma_start3A_32, %dma_start3A_33, %dma_start3A_34] : memref<7x1x4x4096xf32, #tpu.memory_space<vmem>> -> memref<1x1x4x4096xf32, #tpu.memory_space<vmem>>
    %dma_start3A_36 = tpu.memref_squeeze %dma_start3A_35 : memref<1x1x4x4096xf32, #tpu.memory_space<vmem>> -> memref<1x4x4096xf32, #tpu.memory_space<vmem>>
    %dma_start3A_37 = arith.constant 784 : i32
    %dma_start3A_38 = tpu.memref_slice %arg6[%dma_start3A_37] : memref<800xi32, #tpu.memory_space<vmem>> -> memref<1xi32, #tpu.memory_space<vmem>>
    %dma_start3A_39 = arith.constant 0 : i32
    %dma_start3A_40 = arith.constant 0 : i32
    %dma_start3A_41 = arith.constant 0 : i32
    %dma_start3A_42 = tpu.memref_slice %arg2[%dma_start3A_39, %dma_start3A_40, %dma_start3A_41] : memref<3200x4x4096xf32, #tpu.memory_space<hbm>> -> memref<3200x4x4096xf32, #tpu.memory_space<hbm>>
    tpu.enqueue_indirect_dma source(%dma_start3A_42 : memref<3200x4x4096xf32, #tpu.memory_space<hbm>>) target(%dma_start3A_36 : memref<1x4x4096xf32, #tpu.memory_space<vmem>>) offsets(%dma_start3A_38 : memref<1xi32, #tpu.memory_space<vmem>>) semaphore(%arg8 : memref<!tpu.dma_semaphore, #tpu.memory_space<semaphore_mem>>)
    %dma_wait3A_43 = arith.constant 6 : i32
    %dma_wait3A_44 = arith.constant 0 : i32
    %dma_wait3A_45 = arith.constant 0 : i32
    %dma_wait3A_46 = arith.constant 0 : i32
    %dma_wait3A_47 = tpu.memref_slice %arg7[%dma_wait3A_43, %dma_wait3A_44, %dma_wait3A_45, %dma_wait3A_46] : memref<7x1x4x4096xf32, #tpu.memory_space<vmem>> -> memref<1x1x4x4096xf32, #tpu.memory_space<vmem>>
    %dma_wait3A_48 = tpu.memref_squeeze %dma_wait3A_47 : memref<1x1x4x4096xf32, #tpu.memory_space<vmem>> -> memref<1x4x4096xf32, #tpu.memory_space<vmem>>
    %dma_wait3A_49 = arith.constant 0 : i32
    %dma_wait3A_50 = arith.constant 0 : i32
    %dma_wait3A_51 = arith.constant 0 : i32
    %dma_wait3A_52 = tpu.memref_slice %arg4[%dma_wait3A_49, %dma_wait3A_50, %dma_wait3A_51] : memref<1600x4x4096xf32, #tpu.memory_space<hbm>> -> memref<1x4x4096xf32, #tpu.memory_space<hbm>>
    %dma_wait3A_53 = arith.constant 0 : i32
    %dma_wait3A_54 = arith.constant 0 : i32
    %dma_wait3A_55 = arith.constant 0 : i32
    %dma_wait3A_56 = tpu.memref_slice %arg7[%dma_wait3A_43, %dma_wait3A_53, %dma_wait3A_54, %dma_wait3A_55] : memref<7x1x4x4096xf32, #tpu.memory_space<vmem>> -> memref<1x1x4x4096xf32, #tpu.memory_space<vmem>>
    %dma_wait3A_57 = tpu.memref_squeeze %dma_wait3A_56 : memref<1x1x4x4096xf32, #tpu.memory_space<vmem>> -> memref<1x4x4096xf32, #tpu.memory_space<vmem>>
    %dma_wait3A_58 = arith.constant 0 : i32
    %dma_wait3A_59 = arith.constant 0 : i32
    %dma_wait3A_60 = arith.constant 0 : i32
    %dma_wait3A_61 = tpu.memref_slice %arg4[%dma_wait3A_58, %dma_wait3A_59, %dma_wait3A_60] : memref<1600x4x4096xf32, #tpu.memory_space<hbm>> -> memref<1x4x4096xf32, #tpu.memory_space<hbm>>
    tpu.wait_dma2 semaphore(%arg14 : memref<!tpu.dma_semaphore, #tpu.memory_space<semaphore_mem>>) src(%dma_wait3A_61 : memref<1x4x4096xf32, #tpu.memory_space<hbm>>) dst(%dma_wait3A_57 : memref<1x4x4096xf32, #tpu.memory_space<vmem>>)
    %add3A_62 = arith.constant 48 : i32
    %add3A_63 = arith.addi %mul3A_2, %add3A_62 : i32
    %dma_start3A_64 = arith.constant 6 : i32
    %dma_start3A_65 = arith.constant 0 : i32
    %dma_start3A_66 = arith.constant 0 : i32
    %dma_start3A_67 = arith.constant 0 : i32
    %dma_start3A_68 = tpu.memref_slice %arg7[%dma_start3A_64, %dma_start3A_65, %dma_start3A_66, %dma_start3A_67] : memref<7x1x4x4096xf32, #tpu.memory_space<vmem>> -> memref<1x1x4x4096xf32, #tpu.memory_space<vmem>>
    %dma_start3A_69 = tpu.memref_squeeze %dma_start3A_68 : memref<1x1x4x4096xf32, #tpu.memory_space<vmem>> -> memref<1x4x4096xf32, #tpu.memory_space<vmem>>
    %dma_start3A_70 = arith.constant 0 : i32
    %dma_start3A_71 = arith.constant 0 : i32
    %dma_start3A_72 = tpu.memref_slice %arg4[%add3A_63, %dma_start3A_70, %dma_start3A_71] : memref<1600x4x4096xf32, #tpu.memory_space<hbm>> -> memref<1x4x4096xf32, #tpu.memory_space<hbm>>
    %dma_start3A_73 = arith.constant 0 : i32
    %dma_start3A_74 = arith.constant 0 : i32
    %dma_start3A_75 = tpu.memref_slice %arg4[%add3A_63, %dma_start3A_73, %dma_start3A_74] : memref<1600x4x4096xf32, #tpu.memory_space<hbm>> -> memref<1x4x4096xf32, #tpu.memory_space<hbm>>
    %dma_start3A_76 = arith.constant 0 : i32
    %dma_start3A_77 = arith.constant 0 : i32
    %dma_start3A_78 = arith.constant 0 : i32
    %dma_start3A_79 = tpu.memref_slice %arg7[%dma_start3A_64, %dma_start3A_76, %dma_start3A_77, %dma_start3A_78] : memref<7x1x4x4096xf32, #tpu.memory_space<vmem>> -> memref<1x1x4x4096xf32, #tpu.memory_space<vmem>>
    %dma_start3A_80 = tpu.memref_squeeze %dma_start3A_79 : memref<1x1x4x4096xf32, #tpu.memory_space<vmem>> -> memref<1x4x4096xf32, #tpu.memory_space<vmem>>
    tpu.enqueue_dma source(%dma_start3A_80 : memref<1x4x4096xf32, #tpu.memory_space<vmem>>) target(%dma_start3A_75 : memref<1x4x4096xf32, #tpu.memory_space<hbm>>) target_semaphore(%arg21 : memref<!tpu.dma_semaphore, #tpu.memory_space<semaphore_mem>>)
    %dma_wait3A_81 = arith.constant 0 : i32
    %dma_wait3A_82 = arith.constant 0 : i32
    %dma_wait3A_83 = arith.constant 0 : i32
    %dma_wait3A_84 = arith.constant 0 : i32
    %dma_wait3A_85 = tpu.memref_slice %arg7[%dma_wait3A_81, %dma_wait3A_82, %dma_wait3A_83, %dma_wait3A_84] : memref<7x1x4x4096xf32, #tpu.memory_space<vmem>> -> memref<1x1x4x4096xf32, #tpu.memory_space<vmem>>
    %dma_wait3A_86 = tpu.memref_squeeze %dma_wait3A_85 : memref<1x1x4x4096xf32, #tpu.memory_space<vmem>> -> memref<1x4x4096xf32, #tpu.memory_space<vmem>>
    %dma_wait3A_87 = arith.constant 0 : i32
    %dma_wait3A_88 = arith.constant 0 : i32
    %dma_wait3A_89 = arith.constant 0 : i32
    %dma_wait3A_90 = tpu.memref_slice %arg4[%dma_wait3A_87, %dma_wait3A_88, %dma_wait3A_89] : memref<1600x4x4096xf32, #tpu.memory_space<hbm>> -> memref<1x4x4096xf32, #tpu.memory_space<hbm>>
    %dma_wait3A_91 = arith.constant 0 : i32
    %dma_wait3A_92 = arith.constant 0 : i32
    %dma_wait3A_93 = arith.constant 0 : i32
    %dma_wait3A_94 = tpu.memref_slice %arg7[%dma_wait3A_81, %dma_wait3A_91, %dma_wait3A_92, %dma_wait3A_93] : memref<7x1x4x4096xf32, #tpu.memory_space<vmem>> -> memref<1x1x4x4096xf32, #tpu.memory_space<vmem>>
    %dma_wait3A_95 = tpu.memref_squeeze %dma_wait3A_94 : memref<1x1x4x4096xf32, #tpu.memory_space<vmem>> -> memref<1x4x4096xf32, #tpu.memory_space<vmem>>
    %dma_wait3A_96 = arith.constant 0 : i32
    %dma_wait3A_97 = arith.constant 0 : i32
    %dma_wait3A_98 = arith.constant 0 : i32
    %dma_wait3A_99 = tpu.memref_slice %arg4[%dma_wait3A_96, %dma_wait3A_97, %dma_wait3A_98] : memref<1600x4x4096xf32, #tpu.memory_space<hbm>> -> memref<1x4x4096xf32, #tpu.memory_space<hbm>>
    tpu.wait_dma2 semaphore(%arg8 : memref<!tpu.dma_semaphore, #tpu.memory_space<semaphore_mem>>) src(%dma_wait3A_99 : memref<1x4x4096xf32, #tpu.memory_space<hbm>>) dst(%dma_wait3A_95 : memref<1x4x4096xf32, #tpu.memory_space<vmem>>)
    %add3A_100 = arith.constant 49 : i32
    %add3A_101 = arith.addi %mul3A_2, %add3A_100 : i32
    %dma_start3A_102 = arith.constant 0 : i32
    %dma_start3A_103 = arith.constant 0 : i32
    %dma_start3A_104 = arith.constant 0 : i32
    %dma_start3A_105 = arith.constant 0 : i32
    %dma_start3A_106 = tpu.memref_slice %arg7[%dma_start3A_102, %dma_start3A_103, %dma_start3A_104, %dma_start3A_105] : memref<7x1x4x4096xf32, #tpu.memory_space<vmem>> -> memref<1x1x4x4096xf32, #tpu.memory_space<vmem>>
    %dma_start3A_107 = tpu.memref_squeeze %dma_start3A_106 : memref<1x1x4x4096xf32, #tpu.memory_space<vmem>> -> memref<1x4x4096xf32, #tpu.memory_space<vmem>>
    %dma_start3A_108 = arith.constant 0 : i32
    %dma_start3A_109 = arith.constant 0 : i32
    %dma_start3A_110 = tpu.memref_slice %arg4[%add3A_101, %dma_start3A_108, %dma_start3A_109] : memref<1600x4x4096xf32, #tpu.memory_space<hbm>> -> memref<1x4x4096xf32, #tpu.memory_space<hbm>>
    %dma_start3A_111 = arith.constant 0 : i32
    %dma_start3A_112 = arith.constant 0 : i32
    %dma_start3A_113 = tpu.memref_slice %arg4[%add3A_101, %dma_start3A_111, %dma_start3A_112] : memref<1600x4x4096xf32, #tpu.memory_space<hbm>> -> memref<1x4x4096xf32, #tpu.memory_space<hbm>>
    %dma_start3A_114 = arith.constant 0 : i32
    %dma_start3A_115 = arith.constant 0 : i32
    %dma_start3A_116 = arith.constant 0 : i32
    %dma_start3A_117 = tpu.memref_slice %arg7[%dma_start3A_102, %dma_start3A_114, %dma_start3A_115, %dma_start3A_116] : memref<7x1x4x4096xf32, #tpu.memory_space<vmem>> -> memref<1x1x4x4096xf32, #tpu.memory_space<vmem>>
    %dma_start3A_118 = tpu.memref_squeeze %dma_start3A_117 : memref<1x1x4x4096xf32, #tpu.memory_space<vmem>> -> memref<1x4x4096xf32, #tpu.memory_space<vmem>>
    tpu.enqueue_dma source(%dma_start3A_118 : memref<1x4x4096xf32, #tpu.memory_space<vmem>>) target(%dma_start3A_113 : memref<1x4x4096xf32, #tpu.memory_space<hbm>>) target_semaphore(%arg15 : memref<!tpu.dma_semaphore, #tpu.memory_space<semaphore_mem>>)
    %dma_wait3A_119 = arith.constant 0 : i32
    %dma_wait3A_120 = arith.constant 0 : i32
    %dma_wait3A_121 = arith.constant 0 : i32
    %dma_wait3A_122 = arith.constant 0 : i32
    %dma_wait3A_123 = tpu.memref_slice %arg7[%dma_wait3A_119, %dma_wait3A_120, %dma_wait3A_121, %dma_wait3A_122] : memref<7x1x4x4096xf32, #tpu.memory_space<vmem>> -> memref<1x1x4x4096xf32, #tpu.memory_space<vmem>>
    %dma_wait3A_124 = tpu.memref_squeeze %dma_wait3A_123 : memref<1x1x4x4096xf32, #tpu.memory_space<vmem>> -> memref<1x4x4096xf32, #tpu.memory_space<vmem>>
    %dma_wait3A_125 = arith.constant 0 : i32
    %dma_wait3A_126 = arith.constant 0 : i32
    %dma_wait3A_127 = arith.constant 0 : i32
    %dma_wait3A_128 = tpu.memref_slice %arg4[%dma_wait3A_125, %dma_wait3A_126, %dma_wait3A_127] : memref<1600x4x4096xf32, #tpu.memory_space<hbm>> -> memref<1x4x4096xf32, #tpu.memory_space<hbm>>
    %dma_wait3A_129 = arith.constant 0 : i32
    %dma_wait3A_130 = arith.constant 0 : i32
    %dma_wait3A_131 = arith.constant 0 : i32
    %dma_wait3A_132 = tpu.memref_slice %arg7[%dma_wait3A_119, %dma_wait3A_129, %dma_wait3A_130, %dma_wait3A_131] : memref<7x1x4x4096xf32, #tpu.memory_space<vmem>> -> memref<1x1x4x4096xf32, #tpu.memory_space<vmem>>
    %dma_wait3A_133 = tpu.memref_squeeze %dma_wait3A_132 : memref<1x1x4x4096xf32, #tpu.memory_space<vmem>> -> memref<1x4x4096xf32, #tpu.memory_space<vmem>>
    %dma_wait3A_134 = arith.constant 0 : i32
    %dma_wait3A_135 = arith.constant 0 : i32
    %dma_wait3A_136 = arith.constant 0 : i32
    %dma_wait3A_137 = tpu.memref_slice %arg4[%dma_wait3A_134, %dma_wait3A_135, %dma_wait3A_136] : memref<1600x4x4096xf32, #tpu.memory_space<hbm>> -> memref<1x4x4096xf32, #tpu.memory_space<hbm>>
    tpu.wait_dma2 semaphore(%arg15 : memref<!tpu.dma_semaphore, #tpu.memory_space<semaphore_mem>>) src(%dma_wait3A_137 : memref<1x4x4096xf32, #tpu.memory_space<hbm>>) dst(%dma_wait3A_133 : memref<1x4x4096xf32, #tpu.memory_space<vmem>>)
    %dma_wait3A_138 = arith.constant 1 : i32
    %dma_wait3A_139 = arith.constant 0 : i32
    %dma_wait3A_140 = arith.constant 0 : i32
    %dma_wait3A_141 = arith.constant 0 : i32
    %dma_wait3A_142 = tpu.memref_slice %arg7[%dma_wait3A_138, %dma_wait3A_139, %dma_wait3A_140, %dma_wait3A_141] : memref<7x1x4x4096xf32, #tpu.memory_space<vmem>> -> memref<1x1x4x4096xf32, #tpu.memory_space<vmem>>
    %dma_wait3A_143 = tpu.memref_squeeze %dma_wait3A_142 : memref<1x1x4x4096xf32, #tpu.memory_space<vmem>> -> memref<1x4x4096xf32, #tpu.memory_space<vmem>>
    %dma_wait3A_144 = arith.constant 0 : i32
    %dma_wait3A_145 = arith.constant 0 : i32
    %dma_wait3A_146 = arith.constant 0 : i32
    %dma_wait3A_147 = tpu.memref_slice %arg4[%dma_wait3A_144, %dma_wait3A_145, %dma_wait3A_146] : memref<1600x4x4096xf32, #tpu.memory_space<hbm>> -> memref<1x4x4096xf32, #tpu.memory_space<hbm>>
    %dma_wait3A_148 = arith.constant 0 : i32
    %dma_wait3A_149 = arith.constant 0 : i32
    %dma_wait3A_150 = arith.constant 0 : i32
    %dma_wait3A_151 = tpu.memref_slice %arg7[%dma_wait3A_138, %dma_wait3A_148, %dma_wait3A_149, %dma_wait3A_150] : memref<7x1x4x4096xf32, #tpu.memory_space<vmem>> -> memref<1x1x4x4096xf32, #tpu.memory_space<vmem>>
    %dma_wait3A_152 = tpu.memref_squeeze %dma_wait3A_151 : memref<1x1x4x4096xf32, #tpu.memory_space<vmem>> -> memref<1x4x4096xf32, #tpu.memory_space<vmem>>
    %dma_wait3A_153 = arith.constant 0 : i32
    %dma_wait3A_154 = arith.constant 0 : i32
    %dma_wait3A_155 = arith.constant 0 : i32
    %dma_wait3A_156 = tpu.memref_slice %arg4[%dma_wait3A_153, %dma_wait3A_154, %dma_wait3A_155] : memref<1600x4x4096xf32, #tpu.memory_space<hbm>> -> memref<1x4x4096xf32, #tpu.memory_space<hbm>>
    tpu.wait_dma2 semaphore(%arg16 : memref<!tpu.dma_semaphore, #tpu.memory_space<semaphore_mem>>) src(%dma_wait3A_156 : memref<1x4x4096xf32, #tpu.memory_space<hbm>>) dst(%dma_wait3A_152 : memref<1x4x4096xf32, #tpu.memory_space<vmem>>)
    %dma_wait3A_157 = arith.constant 2 : i32
    %dma_wait3A_158 = arith.constant 0 : i32
    %dma_wait3A_159 = arith.constant 0 : i32
    %dma_wait3A_160 = arith.constant 0 : i32
    %dma_wait3A_161 = tpu.memref_slice %arg7[%dma_wait3A_157, %dma_wait3A_158, %dma_wait3A_159, %dma_wait3A_160] : memref<7x1x4x4096xf32, #tpu.memory_space<vmem>> -> memref<1x1x4x4096xf32, #tpu.memory_space<vmem>>
    %dma_wait3A_162 = tpu.memref_squeeze %dma_wait3A_161 : memref<1x1x4x4096xf32, #tpu.memory_space<vmem>> -> memref<1x4x4096xf32, #tpu.memory_space<vmem>>
    %dma_wait3A_163 = arith.constant 0 : i32
    %dma_wait3A_164 = arith.constant 0 : i32
    %dma_wait3A_165 = arith.constant 0 : i32
    %dma_wait3A_166 = tpu.memref_slice %arg4[%dma_wait3A_163, %dma_wait3A_164, %dma_wait3A_165] : memref<1600x4x4096xf32, #tpu.memory_space<hbm>> -> memref<1x4x4096xf32, #tpu.memory_space<hbm>>
    %dma_wait3A_167 = arith.constant 0 : i32
    %dma_wait3A_168 = arith.constant 0 : i32
    %dma_wait3A_169 = arith.constant 0 : i32
    %dma_wait3A_170 = tpu.memref_slice %arg7[%dma_wait3A_157, %dma_wait3A_167, %dma_wait3A_168, %dma_wait3A_169] : memref<7x1x4x4096xf32, #tpu.memory_space<vmem>> -> memref<1x1x4x4096xf32, #tpu.memory_space<vmem>>
    %dma_wait3A_171 = tpu.memref_squeeze %dma_wait3A_170 : memref<1x1x4x4096xf32, #tpu.memory_space<vmem>> -> memref<1x4x4096xf32, #tpu.memory_space<vmem>>
    %dma_wait3A_172 = arith.constant 0 : i32
    %dma_wait3A_173 = arith.constant 0 : i32
    %dma_wait3A_174 = arith.constant 0 : i32
    %dma_wait3A_175 = tpu.memref_slice %arg4[%dma_wait3A_172, %dma_wait3A_173, %dma_wait3A_174] : memref<1600x4x4096xf32, #tpu.memory_space<hbm>> -> memref<1x4x4096xf32, #tpu.memory_space<hbm>>
    tpu.wait_dma2 semaphore(%arg17 : memref<!tpu.dma_semaphore, #tpu.memory_space<semaphore_mem>>) src(%dma_wait3A_175 : memref<1x4x4096xf32, #tpu.memory_space<hbm>>) dst(%dma_wait3A_171 : memref<1x4x4096xf32, #tpu.memory_space<vmem>>)
    %dma_wait3A_176 = arith.constant 3 : i32
    %dma_wait3A_177 = arith.constant 0 : i32
    %dma_wait3A_178 = arith.constant 0 : i32
    %dma_wait3A_179 = arith.constant 0 : i32
    %dma_wait3A_180 = tpu.memref_slice %arg7[%dma_wait3A_176, %dma_wait3A_177, %dma_wait3A_178, %dma_wait3A_179] : memref<7x1x4x4096xf32, #tpu.memory_space<vmem>> -> memref<1x1x4x4096xf32, #tpu.memory_space<vmem>>
    %dma_wait3A_181 = tpu.memref_squeeze %dma_wait3A_180 : memref<1x1x4x4096xf32, #tpu.memory_space<vmem>> -> memref<1x4x4096xf32, #tpu.memory_space<vmem>>
    %dma_wait3A_182 = arith.constant 0 : i32
    %dma_wait3A_183 = arith.constant 0 : i32
    %dma_wait3A_184 = arith.constant 0 : i32
    %dma_wait3A_185 = tpu.memref_slice %arg4[%dma_wait3A_182, %dma_wait3A_183, %dma_wait3A_184] : memref<1600x4x4096xf32, #tpu.memory_space<hbm>> -> memref<1x4x4096xf32, #tpu.memory_space<hbm>>
    %dma_wait3A_186 = arith.constant 0 : i32
    %dma_wait3A_187 = arith.constant 0 : i32
    %dma_wait3A_188 = arith.constant 0 : i32
    %dma_wait3A_189 = tpu.memref_slice %arg7[%dma_wait3A_176, %dma_wait3A_186, %dma_wait3A_187, %dma_wait3A_188] : memref<7x1x4x4096xf32, #tpu.memory_space<vmem>> -> memref<1x1x4x4096xf32, #tpu.memory_space<vmem>>
    %dma_wait3A_190 = tpu.memref_squeeze %dma_wait3A_189 : memref<1x1x4x4096xf32, #tpu.memory_space<vmem>> -> memref<1x4x4096xf32, #tpu.memory_space<vmem>>
    %dma_wait3A_191 = arith.constant 0 : i32
    %dma_wait3A_192 = arith.constant 0 : i32
    %dma_wait3A_193 = arith.constant 0 : i32
    %dma_wait3A_194 = tpu.memref_slice %arg4[%dma_wait3A_191, %dma_wait3A_192, %dma_wait3A_193] : memref<1600x4x4096xf32, #tpu.memory_space<hbm>> -> memref<1x4x4096xf32, #tpu.memory_space<hbm>>
    tpu.wait_dma2 semaphore(%arg18 : memref<!tpu.dma_semaphore, #tpu.memory_space<semaphore_mem>>) src(%dma_wait3A_194 : memref<1x4x4096xf32, #tpu.memory_space<hbm>>) dst(%dma_wait3A_190 : memref<1x4x4096xf32, #tpu.memory_space<vmem>>)
    %dma_wait3A_195 = arith.constant 4 : i32
    %dma_wait3A_196 = arith.constant 0 : i32
    %dma_wait3A_197 = arith.constant 0 : i32
    %dma_wait3A_198 = arith.constant 0 : i32
    %dma_wait3A_199 = tpu.memref_slice %arg7[%dma_wait3A_195, %dma_wait3A_196, %dma_wait3A_197, %dma_wait3A_198] : memref<7x1x4x4096xf32, #tpu.memory_space<vmem>> -> memref<1x1x4x4096xf32, #tpu.memory_space<vmem>>
    %dma_wait3A_200 = tpu.memref_squeeze %dma_wait3A_199 : memref<1x1x4x4096xf32, #tpu.memory_space<vmem>> -> memref<1x4x4096xf32, #tpu.memory_space<vmem>>
    %dma_wait3A_201 = arith.constant 0 : i32
    %dma_wait3A_202 = arith.constant 0 : i32
    %dma_wait3A_203 = arith.constant 0 : i32
    %dma_wait3A_204 = tpu.memref_slice %arg4[%dma_wait3A_201, %dma_wait3A_202, %dma_wait3A_203] : memref<1600x4x4096xf32, #tpu.memory_space<hbm>> -> memref<1x4x4096xf32, #tpu.memory_space<hbm>>
    %dma_wait3A_205 = arith.constant 0 : i32
    %dma_wait3A_206 = arith.constant 0 : i32
    %dma_wait3A_207 = arith.constant 0 : i32
    %dma_wait3A_208 = tpu.memref_slice %arg7[%dma_wait3A_195, %dma_wait3A_205, %dma_wait3A_206, %dma_wait3A_207] : memref<7x1x4x4096xf32, #tpu.memory_space<vmem>> -> memref<1x1x4x4096xf32, #tpu.memory_space<vmem>>
    %dma_wait3A_209 = tpu.memref_squeeze %dma_wait3A_208 : memref<1x1x4x4096xf32, #tpu.memory_space<vmem>> -> memref<1x4x4096xf32, #tpu.memory_space<vmem>>
    %dma_wait3A_210 = arith.constant 0 : i32
    %dma_wait3A_211 = arith.constant 0 : i32
    %dma_wait3A_212 = arith.constant 0 : i32
    %dma_wait3A_213 = tpu.memref_slice %arg4[%dma_wait3A_210, %dma_wait3A_211, %dma_wait3A_212] : memref<1600x4x4096xf32, #tpu.memory_space<hbm>> -> memref<1x4x4096xf32, #tpu.memory_space<hbm>>
    tpu.wait_dma2 semaphore(%arg19 : memref<!tpu.dma_semaphore, #tpu.memory_space<semaphore_mem>>) src(%dma_wait3A_213 : memref<1x4x4096xf32, #tpu.memory_space<hbm>>) dst(%dma_wait3A_209 : memref<1x4x4096xf32, #tpu.memory_space<vmem>>)
    %dma_wait3A_214 = arith.constant 5 : i32
    %dma_wait3A_215 = arith.constant 0 : i32
    %dma_wait3A_216 = arith.constant 0 : i32
    %dma_wait3A_217 = arith.constant 0 : i32
    %dma_wait3A_218 = tpu.memref_slice %arg7[%dma_wait3A_214, %dma_wait3A_215, %dma_wait3A_216, %dma_wait3A_217] : memref<7x1x4x4096xf32, #tpu.memory_space<vmem>> -> memref<1x1x4x4096xf32, #tpu.memory_space<vmem>>
    %dma_wait3A_219 = tpu.memref_squeeze %dma_wait3A_218 : memref<1x1x4x4096xf32, #tpu.memory_space<vmem>> -> memref<1x4x4096xf32, #tpu.memory_space<vmem>>
    %dma_wait3A_220 = arith.constant 0 : i32
    %dma_wait3A_221 = arith.constant 0 : i32
    %dma_wait3A_222 = arith.constant 0 : i32
    %dma_wait3A_223 = tpu.memref_slice %arg4[%dma_wait3A_220, %dma_wait3A_221, %dma_wait3A_222] : memref<1600x4x4096xf32, #tpu.memory_space<hbm>> -> memref<1x4x4096xf32, #tpu.memory_space<hbm>>
    %dma_wait3A_224 = arith.constant 0 : i32
    %dma_wait3A_225 = arith.constant 0 : i32
    %dma_wait3A_226 = arith.constant 0 : i32
    %dma_wait3A_227 = tpu.memref_slice %arg7[%dma_wait3A_214, %dma_wait3A_224, %dma_wait3A_225, %dma_wait3A_226] : memref<7x1x4x4096xf32, #tpu.memory_space<vmem>> -> memref<1x1x4x4096xf32, #tpu.memory_space<vmem>>
    %dma_wait3A_228 = tpu.memref_squeeze %dma_wait3A_227 : memref<1x1x4x4096xf32, #tpu.memory_space<vmem>> -> memref<1x4x4096xf32, #tpu.memory_space<vmem>>
    %dma_wait3A_229 = arith.constant 0 : i32
    %dma_wait3A_230 = arith.constant 0 : i32
    %dma_wait3A_231 = arith.constant 0 : i32
    %dma_wait3A_232 = tpu.memref_slice %arg4[%dma_wait3A_229, %dma_wait3A_230, %dma_wait3A_231] : memref<1600x4x4096xf32, #tpu.memory_space<hbm>> -> memref<1x4x4096xf32, #tpu.memory_space<hbm>>
    tpu.wait_dma2 semaphore(%arg20 : memref<!tpu.dma_semaphore, #tpu.memory_space<semaphore_mem>>) src(%dma_wait3A_232 : memref<1x4x4096xf32, #tpu.memory_space<hbm>>) dst(%dma_wait3A_228 : memref<1x4x4096xf32, #tpu.memory_space<vmem>>)
    %dma_wait3A_233 = arith.constant 6 : i32
    %dma_wait3A_234 = arith.constant 0 : i32
    %dma_wait3A_235 = arith.constant 0 : i32
    %dma_wait3A_236 = arith.constant 0 : i32
    %dma_wait3A_237 = tpu.memref_slice %arg7[%dma_wait3A_233, %dma_wait3A_234, %dma_wait3A_235, %dma_wait3A_236] : memref<7x1x4x4096xf32, #tpu.memory_space<vmem>> -> memref<1x1x4x4096xf32, #tpu.memory_space<vmem>>
    %dma_wait3A_238 = tpu.memref_squeeze %dma_wait3A_237 : memref<1x1x4x4096xf32, #tpu.memory_space<vmem>> -> memref<1x4x4096xf32, #tpu.memory_space<vmem>>
    %dma_wait3A_239 = arith.constant 0 : i32
    %dma_wait3A_240 = arith.constant 0 : i32
    %dma_wait3A_241 = arith.constant 0 : i32
    %dma_wait3A_242 = tpu.memref_slice %arg4[%dma_wait3A_239, %dma_wait3A_240, %dma_wait3A_241] : memref<1600x4x4096xf32, #tpu.memory_space<hbm>> -> memref<1x4x4096xf32, #tpu.memory_space<hbm>>
    %dma_wait3A_243 = arith.constant 0 : i32
    %dma_wait3A_244 = arith.constant 0 : i32
    %dma_wait3A_245 = arith.constant 0 : i32
    %dma_wait3A_246 = tpu.memref_slice %arg7[%dma_wait3A_233, %dma_wait3A_243, %dma_wait3A_244, %dma_wait3A_245] : memref<7x1x4x4096xf32, #tpu.memory_space<vmem>> -> memref<1x1x4x4096xf32, #tpu.memory_space<vmem>>
    %dma_wait3A_247 = tpu.memref_squeeze %dma_wait3A_246 : memref<1x1x4x4096xf32, #tpu.memory_space<vmem>> -> memref<1x4x4096xf32, #tpu.memory_space<vmem>>
    %dma_wait3A_248 = arith.constant 0 : i32
    %dma_wait3A_249 = arith.constant 0 : i32
    %dma_wait3A_250 = arith.constant 0 : i32
    %dma_wait3A_251 = tpu.memref_slice %arg4[%dma_wait3A_248, %dma_wait3A_249, %dma_wait3A_250] : memref<1600x4x4096xf32, #tpu.memory_space<hbm>> -> memref<1x4x4096xf32, #tpu.memory_space<hbm>>
    tpu.wait_dma2 semaphore(%arg21 : memref<!tpu.dma_semaphore, #tpu.memory_space<semaphore_mem>>) src(%dma_wait3A_251 : memref<1x4x4096xf32, #tpu.memory_space<hbm>>) dst(%dma_wait3A_247 : memref<1x4x4096xf32, #tpu.memory_space<vmem>>)
    return
  }
}

</mosaic_0001>

<sc_bundles>
// kernel: kernel.3.cloned.1.call-start
scs
__scs_entry_jumppad:
0x0: {  	(pc) =	sbr.rel $0x88, $3  }
0x1: {  	(tag) =	ssettag $0x0;
	lr =	simm.s32 $0x1  }
0x2: {  	[smem:$0x3F9F] =	sst lr;
	_ =	strace $0xD0000000  }
0x3: {  	_ = 	snop  }
0x4: {  	_ = 	snop  }
0x5: {  	_ = 	snop  }
0x6: {  	_ = 	snop  }
0x7: {  	_ = 	snop  }
__scs_overlays_trampoline_lowered:
0x8: {  	[smem:$0x3FAE] =	sst s0  }
0x9: {  	[smem:$0x3FAF] =	sst s1  }
0xa: {  	[smem:$0x3FB0] =	sst s2  }
0xb: {  	[smem:$0x3FB1] =	sst s3  }
0xc: {  	[smem:$0x3FB2] =	sst s4  }
0xd: {  	[smem:$0x3FB3] =	sst s5  }
0xe: {  	[smem:$0x3FB4] =	sst s6  }
0xf: {  	[smem:$0x3FB5] =	sst s7  }
0x10: {  	[smem:$0x3FB6] =	sst s8  }
0x11: {  	[smem:$0x3FB7] =	sst s9;
	s0 =	simm.s32 @!p0 $0x0  }
0x12: {  	s1 =	sld [smem:$0x3F9D];
	s0 =	simm.s32 @p0 $0x1  }
0x13: {  	[smem:$0x3FB8] =	sst s0;
	s0 =	simm.s32 @!p1 $0x0  }
0x14: {  	s2 =	sld [smem:$0x3F9C];
	s0 =	simm.s32 @p1 $0x1  }
0x15: {  	[smem:$0x3FB9] =	sst s0;
	s0 =	simm.s32 @!p2 $0x0  }
0x16: {  	s3 =	sld [smem:$0x3FDB];
	s0 =	simm.s32 @p2 $0x1  }
0x17: {  	s4 =	simm.s32 $0x1BF5;
	[smem:$0x3FBB] =	sst s0  }
0x18: {  	s0 =	sld [smem:$0x3F9E];
	_ =	swait.ge [sflag:s4], $0x0  }
0x19: {  	s7 =	sld [smem:$0x3F9F]  }
0x1a: {  	s8 =	sadd.s32 $0xFFFFE003, lr  }
0x1b: {  	s9 =	sadd.s32 $0xFFFFFEF7, lr;
	s5 =	simm.s32 $0xFFFFFFFF;
	p2 =	slt.u32 s8, $0xFFFFF086  }
0x1c: {  	p1 =	slt.u32 s9, $0xF7A;
	s5 =	simm.s32 @!p2 $0x0  }
0x1d: {  	s5 =	simm.s32 @p1 $0x1;
	p0 =	seq.s32 s7, s2  }
0x1e: {  	s7 =	smul.u32 @!p0 $0xF7A, s2;
	p2 =	seq.s32 @!p0 s5, $0x0  }
0x1f: {  	s9 =	smul.u32 $0xF7A, s1;
	s8 =	simm.s32 @!p0 $0x1BF5;
	p2 =	por !p2, p0  }
0x20: {  	[sflag:s8] =	ssyncset.s32 @!p0 $0xFFFFF086;
	s6 =	sadd.s32 @!p0 s3, s7;
	s7 =	simm.s32 @!p0 $0x108  }
0x21: {  	s3 =	sadd.s32 s3, s9;
	s6 =	sadd.s32 @!p0 $0x88, s6;
	s7 =	simm.s32 @p2 $0x1082  }
0x22: {  	[simem:s7], [sflag:s8] =	dma.local @!p0 [hbm:s6], $0xF7A  }
0x23: {  	s9 =	sor.u32 $0xD0000000, s2;
	s6 =	simm.s32 $0x108;
	_ =	swait.ge @!p0 [sflag:s8], $0x0  }
0x24: {  	s3 =	sadd.s32 $0x88, s3;
	s6 =	simm.s32 @!p1 $0x1082;
	[sflag:s4] =	ssyncset.s32 $0xFFFFF086  }
0x25: {  	[simem:s6], [sflag:s4] =	dma.local [hbm:s3], $0xF7A  }
0x26: {  	[smem:$0x3F9F] =	sst s1;
	(tag) =	ssettag s2;
	_ =	strace s9  }
0x27: {  	s1 =	sld [smem:$0x3FAF]  }
0x28: {  	s2 =	sld [smem:$0x3FB0]  }
0x29: {  	s4 =	sld [smem:$0x3FB2]  }
0x2a: {  	p0 =	seq.s32 s5, $0x0;
	s5 =	sld [smem:$0x3FB3]  }
0x2b: {  	s6 =	sld [smem:$0x3FB4]  }
0x2c: {  	s7 =	sld [smem:$0x3FB5]  }
0x2d: {  	s3 =	simm.s32 $0x108;
	s8 =	sld [smem:$0x3FB6]  }
0x2e: {  	s3 =	simm.s32 @!p0 $0x1082;
	s9 =	sld [smem:$0x3FB7]  }
0x2f: {  	lr =	sadd.s32 s0, s3;
	s0 =	sld [smem:$0x3FAE]  }
0x30: {  	s3 =	sld [smem:$0x3FB1]  }
0x31: {  	[smem:$0x3FBA] =	sst s10  }
0x32: {  	s10 =	sld [smem:$0x3FB8];
	_ =	sdelay $0x3  }
0x33: {  	p0 =	seq.s32 s10, $0x1;
	s10 =	sld [smem:$0x3FBA];
	_ =	sdelay $0x3  }
0x34: {  	[smem:$0x3FBA] =	sst s10  }
0x35: {  	s10 =	sld [smem:$0x3FB9];
	_ =	sdelay $0x3  }
0x36: {  	p1 =	seq.s32 s10, $0x1;
	s10 =	sld [smem:$0x3FBA];
	_ =	sdelay $0x3  }
0x37: {  	[smem:$0x3FBA] =	sst s10  }
0x38: {  	s10 =	sld [smem:$0x3FBB]  }
0x39: {  	_ = 	snop;
	(pc) =	sbr.ind lr, $3  }
0x3a: {  	_ = 	snop  }
0x3b: {  	_ = 	snop  }
0x3c: {  	p2 =	seq.s32 s10, $0x1;
	s10 =	sld [smem:$0x3FBA]  }
0x3d: {  	_ =	shalt  }
0x3e: {  	_ =	shalt  }
0x3f: {  	_ =	shalt  }
0x40: {  	_ =	shalt  }
0x41: {  	_ =	shalt  }
0x42: {  	_ =	shalt  }
0x43: {  	_ =	shalt  }
0x44: {  	_ =	shalt  }
0x45: {  	_ =	shalt  }
0x46: {  	_ =	shalt  }
0x47: {  	_ =	shalt  }
0x48: {  	_ =	shalt  }
0x49: {  	_ =	shalt  }
0x4a: {  	_ =	shalt  }
0x4b: {  	_ =	shalt  }
0x4c: {  	_ =	shalt  }
0x4d: {  	_ =	shalt  }
0x4e: {  	_ =	shalt  }
0x4f: {  	_ =	shalt  }
0x50: {  	_ =	shalt  }
0x51: {  	_ =	shalt  }
0x52: {  	_ =	shalt  }
0x53: {  	_ =	shalt  }
0x54: {  	_ =	shalt  }
0x55: {  	_ =	shalt  }
0x56: {  	_ =	shalt  }
0x57: {  	_ =	shalt  }
0x58: {  	_ =	shalt  }
0x59: {  	_ =	shalt  }
0x5a: {  	_ =	shalt  }
0x5b: {  	_ =	shalt  }
0x5c: {  	_ =	shalt  }
0x5d: {  	_ =	shalt  }
0x5e: {  	_ =	shalt  }
0x5f: {  	_ =	shalt  }
0x60: {  	_ =	shalt  }
0x61: {  	_ =	shalt  }
0x62: {  	_ =	shalt  }
0x63: {  	_ =	shalt  }
0x64: {  	_ =	shalt  }
0x65: {  	_ =	shalt  }
0x66: {  	_ =	shalt  }
0x67: {  	_ =	shalt  }
0x68: {  	_ =	shalt  }
0x69: {  	_ =	shalt  }
0x6a: {  	_ =	shalt  }
0x6b: {  	_ =	shalt  }
0x6c: {  	_ =	shalt  }
0x6d: {  	_ =	shalt  }
0x6e: {  	_ =	shalt  }
0x6f: {  	_ =	shalt  }
0x70: {  	_ =	shalt  }
0x71: {  	_ =	shalt  }
0x72: {  	_ =	shalt  }
0x73: {  	_ =	shalt  }
0x74: {  	_ =	shalt  }
0x75: {  	_ =	shalt  }
0x76: {  	_ =	shalt  }
0x77: {  	_ =	shalt  }
0x78: {  	_ =	shalt  }
0x79: {  	_ =	shalt  }
0x7a: {  	_ =	shalt  }
0x7b: {  	_ =	shalt  }
0x7c: {  	_ =	shalt  }
0x7d: {  	_ =	shalt  }
0x7e: {  	_ =	shalt  }
0x7f: {  	_ =	shalt  }
0x80: {  	_ =	shalt  }
0x81: {  	_ =	shalt  }
0x82: {  	_ =	shalt  }
0x83: {  	_ =	shalt  }
0x84: {  	_ =	shalt  }
0x85: {  	_ =	shalt  }
0x86: {  	_ =	shalt  }
0x87: {  	_ =	shalt  }
.Lfunc_end0:
.L_simem_size_0:
called_computation_lowered:
.L_overlay_start_0:
0x88: {  	s2 =	sld [smem:$0x3FD9]  }
0x89: {  	s3 =	sld [smem:$0x3FFE];
	_ =	sdelay $0x1  }
0x8a: {  	s1 =	srdreg.scid  }
0x8b: {  	s0 =	sand.u32 $0x1, s1  }
0x8c: {  	s17 =	sshll.u32 s0, $0xA;
	s2 =	sadd.s32 s3, s2  }
0x8d: {  	s2 =	sadd.s32 s2, s17  }
0x8e: {  	[smem:$0x3FC6] =	sst s2  }
0x8f: {  	_ = 	snop  }
0x90: {  	s2 =	sld [smem:$0x3FC8];
	(tm) =	ssettm $0x1  }
0x91: {  	s18 =	sld [smem:$0x3FFB];
	_ =	sdelay $0x3  }
0x92: {  	_ =	strace s18  }
0x93: {  	s3 =	sld [smem:$0x3FFC];
	_ =	sdelay $0x3  }
0x94: {  	_ =	strace s3  }
0x95: {  	s3 =	sld [smem:$0x3FFD];
	_ =	sdelay $0x3  }
0x96: {  	_ =	strace s3  }
0x97: {  	_ =	strace $0x8FFFFFFF  }
0x98: {  	s19 =	sld [smem:$0x3FDB];
	_ =	sdelay $0x1  }
0x99: {  	s4 =	simm.s32 $_scs_section_size  }
0x9a: {  	s5 =	simm.s32 $_size__tile_overlayer_lowered;
	s6 =	simm.s32 $_tile_overlayer_lowered  }
0x9b: {  	s22 =	simm.s32 $0x1BFF;
	s21 =	sshll.u32 s6, $0x1;
	s3 =	sadd.s32 s4, s19  }
0x9c: {  	s7 =	simm.s32 $0x0;
	s20 =	sshll.u32 s5, $0x1;
	s5 =	sadd.s32 s21, s3  }
0x9d: {  	[timem:s7], [sflag:s22] =	dma.local [hbm:s5], s20  }
0x9e: {  	_ =	swait.ge [sflag:s22], s20  }
0x9f: {  	s4 =	ssub.s32 $0x0, s20;
	[sflag:s22] =	ssyncset.done $0x0  }
0xa0: {  	[sflag:s22] =	ssyncadd.s32 s4;
	_ =	sdelay $0x1  }
0xa1: {  	s23 =	simm.s32 $0x1B8B  }
0xa2: {  	_ =	swait.ge [sflag:s23], $0x1  }
0xa3: {  	[sflag:s23] =	ssyncset.done $0x0  }
0xa4: {  	s25 =	simm.s32 $0x1B8E;
	s24 =	sld [smem:$0x3FFE];
	[sflag:s23] =	ssyncadd.s32 $0xFFFFFFFF  }
0xa5: {  	s26 =	simm.s32 $execute0_lowered;
	[smem:$0x3FD2] =	sst s25  }
0xa6: {  	s5 =	sshll.u32 s26, $0x1;
	_ =	strace $0x80000046;
	[dreg:$0x1] =	wrdreg $0xFFFFFFFF  }
0xa7: {  	s28 =	simm.s32 $_size_execute0_lowered;
	s3 =	sadd.s32 s3, s5;
	[dreg:$0x0] =	wrdreg $0x0  }
0xa8: {  	s5 =	sshll.u32 s28, $0x1;
	[dreg:$0x2] =	wrdreg s3  }
0xa9: {  	[dreg:$0x3] =	wrdreg s5  }
0xaa: {  	[dreg:$0x4] =	wrdreg $0xC0  }
0xab: {  	_ =	task [dreg:s7], $0x5FFFF  }
0xac: {  	[dreg:$0x1] =	wrdreg $0xFFFFFFFF  }
0xad: {  	[dreg:$0x0] =	wrdreg $0x60  }
0xae: {  	[dreg:$0x2] =	wrdreg s24  }
0xaf: {  	[dreg:$0x3] =	wrdreg s2  }
0xb0: {  	[dreg:$0x4] =	wrdreg $0x9  }
0xb1: {  	_ =	task.clear_ibuf [dreg:s7], $0x5FFFF;
	_ =	strace $0x90000046  }
0xb2: {  	s29 =	simm.s32 $0x9;
	_ =	strace $0x80000048  }
0xb3: {  	_ =	swait.ge [sflag:s29], $0x1  }
0xb4: {  	[sflag:s29] =	ssyncadd.s32 $0xFFFFFFFF  }
0xb5: {  	_ =	strace $0x90000048  }
0xb6: {  	_ =	sfence  }
0xb7: {  	s30 =	sld [smem:$0x0];
	_ =	sdelay $0x2  }
0xb8: {  	s31 =	sshll.u32 s1, $0xD;
	s1 =	sshrl.u32 s1, $0x2  }
0xb9: {  	s3 =	sand.u32 $0x4000, s31;
	s1 =	sadd.s32 s1, s30  }
0xba: {  	s0 =	sor.u32 s3, s0;
	s1 =	sshll.u32 s1, $0x11  }
0xbb: {  	s0 =	sor.u32 s1, s0  }
0xbc: {  	s0 =	sadd.s32 $0x8F2B, s0  }
0xbd: {  	[sflag:s0] =	ssyncadd.remote.s32 $0x1  }
0xbe: {  	_ =	sfence.sel $0xFFFF  }
0xbf: {  	[dreg:$0x0] =	wrdreg $0xFFFFFFFF;
	(pc) =	sbr.abs _section_cstart, $3  }
0xc0: {  	[dreg:$0x1] =	wrdreg $0xFFFFFFFF  }
0xc1: {  	_ =	task.clear_ibuf [dreg:s7], $0x2FFFF;
	_ =	strace $0x9FFFFFFF  }
0xc2: {  	(tm) =	ssettm $0x7FFFFFFF  }
0xc3: {  	_ =	shalt  }
tec
execute0_lowered:
.L_overlay_start_1:
0x0: {  	(tag) =	ssettag $0x1  }
0x1: {  	s0 =	srdreg.scid;
	s11 =	stileid.u32  }
0x2: {  	s2 =	rddreg [dreg:$0x0];
	s3 =	simm.s32 $0x0;
	s12 =	simm.s32 $0x4400  }
0x3: {  	s13 =	simm.s32 $0x1;
	s14 =	simm.s32 $0x400;
	s15 =	simm.s32 $0x8400  }
0x4: {  	s16 =	simm.s32 $0x2;
	s17 =	simm.s32 $0xC400;
	s18 =	simm.s32 $0x3  }
0x5: {  	s19 =	simm.s32 $0x10400;
	s20 =	simm.s32 $0x4;
	s21 =	simm.s32 $0x14400  }
0x6: {  	s29 =	simm.s32 $0xA;
	s30 =	simm.s32 $0xB;
	s31 =	simm.s32 $0xC  }
0x7: {  	s0 =	sand.u32 $0x1, s0;
	[smem:$0x7FF] =	sst s3;
	s9 =	smul.u32 $0x32, s11  }
0x8: {  	s4 =	sadd.s32 $0x400, s2;
	s23 =	smul.u32 $0x19000, s11;
	s1 =	sshll.u32 s0, $0x4  }
0x9: {  	s7 =	smul.u32 $0x320, s0;
	s8 =	ssub.s32 $0x2, s0;
	s1 =	sor.u32 s11, s1  }
0xa: {  	s5 =	sadd.s32 $0x640400, s2;
	s10 =	sshrl.u32 s8, $0x1;
	s6 =	smul.u32 $0x32, s1  }
0xb: {  	_ =	strace $0x80000047;
	s1 =	smul.u32 $0xC8000, s1;
	s22 =	ssub.s32 s8, s10  }
0xc: {  	s0 =	smul.u32 $0x190000, s0;
	s2 =	smax.u32 s22, $0x1;
	s22 =	simm.s32 $0x5  }
0xd: {  	[dreg:$0x3] =	wrdreg s6;
	s1 =	sshrl.u32 s1, $0x3;
	s6 =	sadd.s32 s9, s7  }
0xe: {  	s7 =	sadd.s32 s23, s0;
	[dreg:$0x9] =	wrdreg s2;
	s23 =	simm.s32 $0x18400  }
0xf: {  	s2 =	simm.s32 $0x0;
	s1 =	sadd.s32 s5, s1;
	s26 =	sadd.s32 s5, s7  }
0x10: {  	s24 =	sshll.u32 s6, $0xB;
	s25 =	sadd.s32 $0x18000, s1;
	[dreg:$0x4] =	wrdreg s26  }
0x11: {  	s0 =	sadd.s32 s5, s24;
	s1 =	sadd.s32 $0x18800, s1;
	[dreg:$0x7] =	wrdreg s25  }
0x12: {  	s24 =	simm.s32 $0x6;
	[dreg:$0x8] =	wrdreg s1;
	s28 =	sadd.s32 $0x2000, s0  }
0x13: {  	s0 =	sadd.s32 $0x1000, s0;
	s25 =	simm.s32 $0x8;
	[dreg:$0x5] =	wrdreg s28  }
0x14: {  	vm0 =	vmmov $0x1;
	v0 =	vlaneseq.u32;
	s1 =	simm.s32 $0xD;
	[dreg:$0x6] =	wrdreg s0;
	s0 =	simm.s32 $0xE  }
.LBB2_1:
0x15: {  	s8 =	rddreg [dreg:$0x1];
	s9 =	simm.s32 $0xF  }
0x16: {  	[tilespmem:s3], [sflag:$0xF] =	stream.linear.gather [hbm4b:s8+s3], $0x64, $0x38;
	[tilespmem:$0x1C400] =	vst v63  }
0x17: {  	_ =	swait.ge [sflag:s9], $0x64  }
0x18: {  	s28 =	sshrl.u32 s6, $0x4;
	[sflag:s9] =	ssyncset.done $0x0  }
0x19: {  	s8 =	sand.u32 $0x7FFFFFF, s28;
	[sflag:s9] =	ssyncadd.s32 $0xFFFFFF9C  }
0x1a: {  	v1 =	vld [tilespmem:s8+$0x0];
	_ =	sdelay $0x4  }
0x1b: {  	s26 =	sand.u32 $0xF, s6;
	s10 =	simm.s32 $0x80;
	s9 =	sadd.s32 $0x1, s6;
	v1 =	vshll.u32 v1, $0x4  }
0x1c: {  	s8 =	simm.s32 $0x40;
	s11 =	sshrl.u32 s9, $0x4;
	v1 =	vor.u32 s26, v1;
	s26 =	simm.s32 $0x0  }
.LBB2_2:
0x1d: {  	p0 =	sne.s32 s10, $0xC40;
	s11 =	sand.u32 $0x7FFFFFF, s11;
	[tilespmem:s26+$0x80] =	vst v1;
	s26 =	smov.u32 s8  }
0x1e: {  	s8 =	smov.u32 s10;
	v1 =	vld [tilespmem:s11+$0x0];
	_ =	sdelay $0x1  }
.Ltmp0:
0x1f: {  	(pc) =	sbr.rel @p0 .LBB2_2-.Ltmp0, $3  }
0x20: {  	_ =	sdelay $0x1  }
0x21: {  	s28 =	sand.u32 $0xF, s9;
	s9 =	sadd.s32 $0x1, s9;
	v1 =	vshll.u32 v1, $0x4  }
0x22: {  	s10 =	sadd.s32 $0x40, s10;
	s11 =	sshrl.u32 s9, $0x4;
	s26 =	sshra.s32 s26, $0x2;
	v1 =	vor.u32 s28, v1  }
0x23: {  	s10 =	sand.u32 $0x7FFFFFF, s11;
	[tilespmem:s26+$0x80] =	vst v1  }
0x24: {  	v1 =	vld [tilespmem:s10+$0x0];
	_ =	sdelay $0x4  }
0x25: {  	s9 =	sand.u32 $0xF, s9;
	v1 =	vshll.u32 v1, $0x4  }
0x26: {  	s8 =	sshra.s32 s8, $0x2;
	v1 =	vor.u32 s9, v1  }
0x27: {  	s10 =	simm.s32 $0x0;
	s9 =	simm.s32 $0x1;
	[tilespmem:s8+$0x80] =	vst v1;
	s8 =	simm.s32 $0x0  }
.LBB2_4:
0x28: {  	p0 =	sne.s32 s10, $0x0  }
0x29: {  	s11 =	simm.s32 @p0 $0x8  }
0x2a: {  	_ =	swait.ge @p0 [sflag:s11], $0x4000  }
0x2b: {  	[sflag:s11] =	ssyncset.done @p0 $0x0  }
0x2c: {  	[sflag:s11] =	ssyncadd.s32 @p0 $0xFFFFC000;
	s11 =	sshra.s32 @p0 s8, $0x2  }
0x2d: {  	v1 =	vld.msk @p0 [tilespmem:s11+$0x80], $0x1;
	_ =	sdelay $0x4  }
0x2e: {  	v2 =	vlaneseq.u32 @p0;
	v1 =	vshll.u32 @p0 v1, $0xE  }
0x2f: {  	v1 =	vperm.xlane @p0 v1, v2;
	_ =	sdelay $0x4  }
0x30: {  	vm1 =	vmmov @p0 $0x1;
	s26 =	simm.s32 @p0 $0x400;
	s11 =	simm.s32 @p0 $0x0  }
0x31: {  	[tilespmem:s26], [sflag:$0x1] =	stream.indirect_vreg.gather @p0 [hbm4b:s4+s11], $0x4000, v1, vm1, $0x38;
	[tilespmem:$0x1C400] =	vst v63  }
0x32: {  	s28 =	sadd.s32 @p0 s10, s7;
	s26 =	simm.s32 @p0 $0x7  }
0x33: {  	s28 =	sadd.s32 @p0 $0x1FFFF800, s28;
	_ =	swait.ge @p0 [sflag:s26], $0x4000  }
0x34: {  	s28 =	sand.u32 @p0 $0x1FFFF800, s28;
	[sflag:s26] =	ssyncset.done @p0 $0x0  }
0x35: {  	[sflag:s26] =	ssyncadd.s32 @p0 $0xFFFFC000;
	s26 =	sadd.s32 @p0 s5, s28;
	s28 =	simm.s32 @p0 $0x18400  }
0x36: {  	[hbm4b:s26+s11] =	stream.linear.scatter @p0 [tilespmem:s28], [sflag:$0xE], $0x4000, $0x38;
	[tilespmem:$0x1C400] =	vst v63  }
0x37: {  	s11 =	simm.s32 @p0 $0x9  }
0x38: {  	_ =	swait.ge @p0 [sflag:s11], $0x4000  }
0x39: {  	[sflag:s11] =	ssyncset.done @p0 $0x0  }
0x3a: {  	[sflag:s11] =	ssyncadd.s32 @p0 $0xFFFFC000  }
0x3b: {  	v1 =	vld.msk @!p0 [tilespmem:$0x80], $0x1;
	_ =	sdelay $0x4  }
0x3c: {  	v2 =	vlaneseq.u32 @!p0;
	v1 =	vshll.u32 @!p0 v1, $0xE  }
0x3d: {  	v1 =	vperm.xlane @!p0 v1, v2;
	_ =	sdelay $0x4  }
0x3e: {  	vm1 =	vmmov @!p0 $0x1;
	s26 =	simm.s32 @!p0 $0x400;
	s11 =	simm.s32 @!p0 $0x0  }
0x3f: {  	[tilespmem:s26], [sflag:$0x1] =	stream.indirect_vreg.gather @!p0 [hbm4b:s4+s11], $0x4000, v1, vm1, $0x38;
	[tilespmem:$0x1C400] =	vst v63  }
0x40: {  	s11 =	smov.u32 s9  }
0x41: {  	s11 =	simm.s32 @!p0 $0x1  }
0x42: {  	s28 =	sshll.u32 s11, $0x4  }
0x43: {  	s26 =	sand.u32 $0x3FFFFFF0, s28  }
0x44: {  	v1 =	vld.msk [tilespmem:s26+$0x80], $0x1;
	_ =	sdelay $0x4  }
0x45: {  	v1 =	vshll.u32 v1, $0xE  }
0x46: {  	v1 =	vperm.xlane v1, v0;
	_ =	sdelay $0x5  }
0x47: {  	[tilespmem:s12], [sflag:$0x2] =	stream.indirect_vreg.gather [hbm4b:s4+s3], $0x4000, v1, vm0, $0x38;
	[tilespmem:$0x1C400] =	vst v63  }
0x48: {  	_ =	swait.ge [sflag:s13], $0x4000  }
0x49: {  	s28 =	rddreg [dreg:$0x4];
	[sflag:s13] =	ssyncset.done $0x0  }
0x4a: {  	p1 =	seq.s32 s10, $0x0;
	[sflag:s13] =	ssyncadd.s32 $0xFFFFC000;
	s26 =	sadd.s32 s10, s28  }
0x4b: {  	[hbm4b:s26+s3] =	stream.linear.scatter [tilespmem:s14], [sflag:$0x8], $0x4000, $0x38;
	[tilespmem:$0x1C400] =	vst v63  }
0x4c: {  	s26 =	simm.s32 @!p1 $0xA  }
0x4d: {  	_ =	swait.ge @!p1 [sflag:s26], $0x4000  }
0x4e: {  	[sflag:s26] =	ssyncset.done @!p1 $0x0  }
0x4f: {  	[sflag:s26] =	ssyncadd.s32 @!p1 $0xFFFFC000;
	s26 =	sshra.s32 s8, $0x2  }
0x50: {  	v1 =	vld.msk [tilespmem:s26+$0xA0], $0x1;
	_ =	sdelay $0x4  }
0x51: {  	v1 =	vshll.u32 v1, $0xE  }
0x52: {  	v1 =	vperm.xlane v1, v0;
	_ =	sdelay $0x5  }
0x53: {  	[tilespmem:s15], [sflag:$0x3] =	stream.indirect_vreg.gather [hbm4b:s4+s3], $0x4000, v1, vm0, $0x38;
	[tilespmem:$0x1C400] =	vst v63  }
0x54: {  	_ =	swait.ge [sflag:s16], $0x4000  }
0x55: {  	s28 =	rddreg [dreg:$0x3]  }
0x56: {  	s11 =	sadd.s32 s28, s11  }
0x57: {  	s11 =	sshll.u32 s11, $0xB  }
0x58: {  	[sflag:s16] =	ssyncset.done $0x0;
	s11 =	sand.u32 $0x1FFFF800, s11  }
0x59: {  	[sflag:s16] =	ssyncadd.s32 $0xFFFFC000;
	s11 =	sadd.s32 s5, s11  }
0x5a: {  	[hbm4b:s11+s3] =	stream.linear.scatter [tilespmem:s12], [sflag:$0x9], $0x4000, $0x38;
	[tilespmem:$0x1C400] =	vst v63  }
0x5b: {  	s11 =	simm.s32 @!p1 $0xB  }
0x5c: {  	_ =	swait.ge @!p1 [sflag:s11], $0x4000  }
0x5d: {  	[sflag:s11] =	ssyncset.done @!p1 $0x0  }
0x5e: {  	[sflag:s11] =	ssyncadd.s32 @!p1 $0xFFFFC000  }
0x5f: {  	v1 =	vld.msk [tilespmem:s26+$0xB0], $0x1;
	_ =	sdelay $0x4  }
0x60: {  	v1 =	vshll.u32 v1, $0xE  }
0x61: {  	v1 =	vperm.xlane v1, v0;
	_ =	sdelay $0x5  }
0x62: {  	[tilespmem:s17], [sflag:$0x4] =	stream.indirect_vreg.gather [hbm4b:s4+s3], $0x4000, v1, vm0, $0x38;
	[tilespmem:$0x1C400] =	vst v63  }
0x63: {  	_ =	swait.ge [sflag:s18], $0x4000  }
0x64: {  	s28 =	rddreg [dreg:$0x6];
	[sflag:s18] =	ssyncset.done $0x0  }
0x65: {  	[sflag:s18] =	ssyncadd.s32 $0xFFFFC000;
	s11 =	sadd.s32 s10, s28;
	s28 =	simm.s32 @!p1 $0xC  }
0x66: {  	[hbm4b:s11+s3] =	stream.linear.scatter [tilespmem:s15], [sflag:$0xA], $0x4000, $0x38;
	[tilespmem:$0x1C400] =	vst v63  }
0x67: {  	_ =	swait.ge @!p1 [sflag:s28], $0x4000  }
0x68: {  	[sflag:s28] =	ssyncset.done @!p1 $0x0  }
0x69: {  	[sflag:s28] =	ssyncadd.s32 @!p1 $0xFFFFC000  }
0x6a: {  	v1 =	vld.msk [tilespmem:s26+$0xC0], $0x1;
	_ =	sdelay $0x4  }
0x6b: {  	v1 =	vshll.u32 v1, $0xE  }
0x6c: {  	v1 =	vperm.xlane v1, v0;
	_ =	sdelay $0x5  }
0x6d: {  	[tilespmem:s19], [sflag:$0x5] =	stream.indirect_vreg.gather [hbm4b:s4+s3], $0x4000, v1, vm0, $0x38;
	[tilespmem:$0x1C400] =	vst v63  }
0x6e: {  	_ =	swait.ge [sflag:s20], $0x4000  }
0x6f: {  	[sflag:s20] =	ssyncset.done $0x0  }
0x70: {  	s11 =	sadd.s32 $0x800, s11;
	[sflag:s20] =	ssyncadd.s32 $0xFFFFC000  }
0x71: {  	[hbm4b:s11+s3] =	stream.linear.scatter [tilespmem:s17], [sflag:$0xB], $0x4000, $0x38;
	[tilespmem:$0x1C400] =	vst v63  }
0x72: {  	s11 =	simm.s32 @!p1 $0xD  }
0x73: {  	_ =	swait.ge @!p1 [sflag:s11], $0x4000  }
0x74: {  	[sflag:s11] =	ssyncset.done @!p1 $0x0  }
0x75: {  	[sflag:s11] =	ssyncadd.s32 @!p1 $0xFFFFC000  }
0x76: {  	v1 =	vld.msk [tilespmem:s26+$0xD0], $0x1;
	_ =	sdelay $0x4  }
0x77: {  	v1 =	vshll.u32 v1, $0xE  }
0x78: {  	v1 =	vperm.xlane v1, v0;
	_ =	sdelay $0x5  }
0x79: {  	[tilespmem:s21], [sflag:$0x6] =	stream.indirect_vreg.gather [hbm4b:s4+s3], $0x4000, v1, vm0, $0x38;
	[tilespmem:$0x1C400] =	vst v63  }
0x7a: {  	_ =	swait.ge [sflag:s22], $0x4000  }
0x7b: {  	s26 =	rddreg [dreg:$0x5];
	[sflag:s22] =	ssyncset.done $0x0  }
0x7c: {  	[sflag:s22] =	ssyncadd.s32 $0xFFFFC000;
	s11 =	sadd.s32 s10, s26;
	s26 =	simm.s32 @!p1 $0xE  }
0x7d: {  	[hbm4b:s11+s3] =	stream.linear.scatter [tilespmem:s19], [sflag:$0xC], $0x4000, $0x38;
	[tilespmem:$0x1C400] =	vst v63  }
0x7e: {  	s28 =	smov.u32 s8;
	_ =	swait.ge @!p1 [sflag:s26], $0x4000  }
0x7f: {  	s28 =	simm.s32 @!p0 $0x0;
	[sflag:s26] =	ssyncset.done @!p1 $0x0  }
0x80: {  	s28 =	sshra.s32 s28, $0x2;
	[sflag:s26] =	ssyncadd.s32 @!p1 $0xFFFFC000  }
0x81: {  	v1 =	vld.msk [tilespmem:s28+$0xE0], $0x1;
	_ =	sdelay $0x4  }
0x82: {  	v1 =	vshll.u32 v1, $0xE  }
0x83: {  	v1 =	vperm.xlane v1, v0;
	_ =	sdelay $0x3  }
0x84: {  	s10 =	sadd.s32 $0x3800, s10  }
0x85: {  	p0 =	sne.s32 s10, $0x18800  }
0x86: {  	[tilespmem:s23], [sflag:$0x7] =	stream.indirect_vreg.gather [hbm4b:s4+s3], $0x4000, v1, vm0, $0x38;
	[tilespmem:$0x1C400] =	vst v63  }
.Ltmp1:
0x87: {  	_ = 	snop;
	(pc) =	sbr.rel @p0 .LBB2_4-.Ltmp1, $4  }
0x88: {  	_ =	swait.ge [sflag:s24], $0x4000  }
0x89: {  	s9 =	sadd.s32 $0x7, s9;
	[sflag:s24] =	ssyncset.done $0x0  }
0x8a: {  	s8 =	sadd.s32 $0x1C0, s8;
	s11 =	sadd.s32 $0x800, s11;
	[sflag:s24] =	ssyncadd.s32 $0xFFFFC000  }
0x8b: {  	[hbm4b:s11+s3] =	stream.linear.scatter [tilespmem:s21], [sflag:$0xD], $0x4000, $0x38;
	[tilespmem:$0x1C400] =	vst v63  }
0x8c: {  	_ =	swait.ge [sflag:s25], $0x4000  }
0x8d: {  	[sflag:s25] =	ssyncset.done $0x0  }
0x8e: {  	[sflag:s25] =	ssyncadd.s32 $0xFFFFC000  }
0x8f: {  	v1 =	vld.msk [tilespmem:$0x390], $0x1;
	_ =	sdelay $0x4  }
0x90: {  	v1 =	vshll.u32 v1, $0xE  }
0x91: {  	v1 =	vperm.xlane v1, v0;
	_ =	sdelay $0x4  }
0x92: {  	s8 =	simm.s32 $0x7  }
0x93: {  	[tilespmem:s14], [sflag:$0x1] =	stream.indirect_vreg.gather [hbm4b:s4+s3], $0x4000, v1, vm0, $0x38;
	[tilespmem:$0x1C400] =	vst v63  }
0x94: {  	_ =	swait.ge [sflag:s8], $0x4000  }
0x95: {  	[sflag:s8] =	ssyncset.done $0x0  }
0x96: {  	s10 =	rddreg [dreg:$0x7];
	[sflag:s8] =	ssyncadd.s32 $0xFFFFC000  }
0x97: {  	[hbm4b:s10+s3] =	stream.linear.scatter [tilespmem:s23], [sflag:$0xE], $0x4000, $0x38;
	[tilespmem:$0x1C400] =	vst v63  }
0x98: {  	_ =	swait.ge [sflag:s13], $0x4000  }
0x99: {  	[sflag:s13] =	ssyncset.done $0x0  }
0x9a: {  	s11 =	rddreg [dreg:$0x8];
	[sflag:s13] =	ssyncadd.s32 $0xFFFFC000  }
0x9b: {  	[hbm4b:s11+s3] =	stream.linear.scatter [tilespmem:s14], [sflag:$0x8], $0x4000, $0x38;
	[tilespmem:$0x1C400] =	vst v63  }
0x9c: {  	_ =	swait.ge [sflag:s25], $0x4000  }
0x9d: {  	[sflag:s25] =	ssyncset.done $0x0  }
0x9e: {  	s26 =	simm.s32 $0x9;
	[sflag:s25] =	ssyncadd.s32 $0xFFFFC000  }
0x9f: {  	_ =	swait.ge [sflag:s26], $0x4000  }
0xa0: {  	[sflag:s26] =	ssyncset.done $0x0  }
0xa1: {  	[sflag:s26] =	ssyncadd.s32 $0xFFFFC000  }
0xa2: {  	_ =	swait.ge [sflag:s29], $0x4000  }
0xa3: {  	[sflag:s29] =	ssyncset.done $0x0  }
0xa4: {  	[sflag:s29] =	ssyncadd.s32 $0xFFFFC000  }
0xa5: {  	_ =	swait.ge [sflag:s30], $0x4000  }
0xa6: {  	[sflag:s30] =	ssyncset.done $0x0  }
0xa7: {  	[sflag:s30] =	ssyncadd.s32 $0xFFFFC000  }
0xa8: {  	_ =	swait.ge [sflag:s31], $0x4000  }
0xa9: {  	[sflag:s31] =	ssyncset.done $0x0  }
0xaa: {  	[sflag:s31] =	ssyncadd.s32 $0xFFFFC000  }
0xab: {  	_ =	swait.ge [sflag:s1], $0x4000  }
0xac: {  	[sflag:s1] =	ssyncset.done $0x0  }
0xad: {  	[sflag:s1] =	ssyncadd.s32 $0xFFFFC000  }
0xae: {  	_ =	swait.ge [sflag:s0], $0x4000  }
0xaf: {  	s2 =	sadd.s32 $0x1, s2;
	s28 =	rddreg [dreg:$0x9]  }
0xb0: {  	p0 =	sne.s32 s2, s28  }
.Ltmp2:
0xb1: {  	_ = 	snop;
	(pc) =	sbr.rel @p0 .LBB2_1-.Ltmp2, $3  }
0xb2: {  	_ =	sdelay $0x1  }
0xb3: {  	[sflag:s0] =	ssyncset.done $0x0  }
0xb4: {  	[sflag:s0] =	ssyncadd.s32 $0xFFFFC000  }
0xb5: {  	_ =	sfence.sel $0x180000  }
0xb6: {  	[bflag:$0x0] =	sbarrier.arrive $0xFFFF  }
0xb7: {  	_ =	strace $0x90000047  }
0xb8: {  	s0 =	stileid.u32;
	[bflag:$0x2] =	sbarrier.arrive $0xFFFF  }
0xb9: {  	p0 =	sne.s32 s0, $0x0;
	s0 =	rddreg [dreg:$0x2]  }
0xba: {  	s0 =	sadd.s32 @!p0 $0x100000, s0  }
0xbb: {  	[sflag:s0] =	ssyncadd.tile.s32 @!p0 $0x1;
	_ =	shalt  }
.Lfunc_end2:
_tile_overlayer_lowered:
.L_overlay_start_2:
0xbc: {  	(tag) =	ssettag $0x2  }
0xbd: {  	s0 =	rddreg [dreg:$0x0];
	s2 =	stileid.u32  }
0xbe: {  	s1 =	rddreg [dreg:$0x1];
	p0 =	sne.s32 s2, $0x0  }
0xbf: {  	s3 =	rddreg [dreg:$0x2];
	[bflag:$0x3] =	sbarrier.arrive $0xFFFF;
	s2 =	simm.s32 @!p0 $0x1C0F  }
0xc0: {  	[timem:s3], [sflag:s2] =	dma.local @!p0 [hbm:s0], s1  }
0xc1: {  	s0 =	simm.s32 @!p0 $0xF  }
0xc2: {  	_ =	swait.ge @!p0 [sflag:s0], s1  }
0xc3: {  	s1 =	ssub.s32 @!p0 $0x0, s1;
	[sflag:s0] =	ssyncset.done @!p0 $0x0  }
0xc4: {  	[sflag:s0] =	ssyncadd.s32 @!p0 s1  }
0xc5: {  	[bflag:$0x3] =	sbarrier.arrive $0xFFFF  }
0xc6: {  	_ =	shalt  }

</sc_bundles>
